<compile_context>
chip_gen: v7x
topology: tpu7x:2x2x1
jax: 0.10.2.dev20260603
libtpu: 0.0.44.dev20260713+nightly
codegen_flags: <defaults>
</compile_context>

<pallas_src>
import functools

import jax
import jax.numpy as jnp
from jax import lax
from jax.experimental import pallas as pl
from jax.experimental.pallas import tpu as pltpu
from jax.experimental.pallas import tpu_sc as plsc

_NC = 2
_NS = 16
_CHUNK = 32


def kernel(tokens, W_pos):
    batch, seq = tokens.shape
    d_model = W_pos.shape[-1]
    nw = _NC * _NS
    rows_per_w = seq // nw
    n_chunks = rows_per_w // _CHUNK
    mesh = plsc.VectorSubcoreMesh(core_axis_name="c", subcore_axis_name="s",
                                  num_cores=_NC, num_subcores=_NS)

    @functools.partial(
        pl.kernel, mesh=mesh,
        out_type=jax.ShapeDtypeStruct((batch, seq, d_model), W_pos.dtype),
        scratch_types=[
            pltpu.VMEM((2, _CHUNK, d_model), W_pos.dtype),
            pltpu.SemaphoreType.DMA((2,)),
            pltpu.SemaphoreType.DMA,
        ],
    )
    def sc_body(w_hbm, o_hbm, buf, in_sems, out_sem):
        wid = lax.axis_index("s") * _NC + lax.axis_index("c")
        base = wid * rows_per_w
        cins = []
        for k in range(min(2, n_chunks)):
            rows = pl.ds(base + k * _CHUNK, _CHUNK)
            cp = pltpu.make_async_copy(w_hbm.at[rows, :], buf.at[k % 2],
                                       in_sems.at[k % 2])
            cp.start()
            cins.append(cp)
        outs = []
        for k in range(n_chunks):
            slot = k % 2
            cins[k].wait()
            rows = pl.ds(base + k * _CHUNK, _CHUNK)
            wouts = []
            for b in range(batch):
                cp = pltpu.make_async_copy(buf.at[slot],
                                           o_hbm.at[b, rows, :], out_sem)
                cp.start()
                wouts.append(cp)
            outs.append(wouts)
            if k + 2 < n_chunks:
                for cp2 in outs[k]:
                    cp2.wait()
                rows2 = pl.ds(base + (k + 2) * _CHUNK, _CHUNK)
                cp = pltpu.make_async_copy(w_hbm.at[rows2, :], buf.at[slot],
                                           in_sems.at[slot])
                cp.start()
                cins.append(cp)
        for k in range(max(0, n_chunks - 2), n_chunks):
            for cp2 in outs[k]:
                cp2.wait()

    return sc_body(W_pos)

# --- scband reference (transcript-rebuilt; emitter-appended) ---
"""Pipeline reference for scband-pos-embed-34677565948802 (READ-ONLY COPY).

The authoritative reference and input builder live on the scoring server;
editing this copy changes nothing except your own understanding.
"""

import jax, jax.numpy as jnp
import numpy as np

N_CTX = 8192
D_MODEL = 1024
BATCH = 4
SEQ = 4096

def setup_inputs(seed: int = 0) -> dict:
    key = jax.random.key(seed)
    k1, k2 = jax.random.split(key)
    tokens = jax.random.randint(k1, (BATCH, SEQ), 0, 50257, dtype=jnp.int64 if jax.config.jax_enable_x64 else jnp.int32).astype(jnp.int32)
    W_pos = jax.random.normal(k2, (N_CTX, D_MODEL), dtype=jnp.float32) * 0.02
    return {"tokens": tokens, "W_pos": W_pos}

def reference(tokens, W_pos):
    # PosEmbed.forward with past_kv_pos_offset = 0
    tokens_length = tokens.shape[-1]
    pos_embed = W_pos[0:tokens_length, :]  # [pos, d_model]
    batch = tokens.shape[0]
    broadcast_pos_embed = jnp.broadcast_to(pos_embed[None, :, :], (batch, tokens_length, W_pos.shape[-1]))
    return broadcast_pos_embed

if __name__ == "__main__":
    import jax
    _d = setup_inputs()
    print(jax.jit(kernel)(*tuple(_d.values())))

</pallas_src>

<mosaic_0001>
#map = affine_map<(d0, d1) -> (0, 0)>
#map1 = affine_map<(d0, d1) -> (0, 0, 0)>
module attributes {stable_mosaic.version = 14 : i64} {
  func.func @sc_body(%arg0: i32, %arg1: i32, %arg2: memref<8192x1024xf32, #tpu.memory_space<hbm>>, %arg3: memref<4x4096x1024xf32, #tpu.memory_space<hbm>>, %arg4: memref<2x32x1024xf32, #tpu.memory_space<vmem>>, %arg5: memref<2x!tpu.dma_semaphore, #tpu.memory_space<semaphore_mem>>, %arg6: memref<!tpu.dma_semaphore, #tpu.memory_space<semaphore_mem>>) attributes {dimension_semantics = [#tpu.dimension_semantics<core_parallel>, #tpu.dimension_semantics<subcore_parallel>], iteration_bounds = array<i64: 2, 16>, scalar_prefetch = 0 : i64, scratch_operands = 3 : i64, tpu.core_type = #tpu.core_type<sc_vector_subcore>, window_params = [{transform_indices = #map}, {transform_indices = #map1}]} {
    %mul3A = arith.constant 2 : i32
    %mul3A_0 = arith.muli %arg1, %mul3A : i32
    %add3A = arith.addi %mul3A_0, %arg0 : i32
    %mul3A_1 = arith.constant 128 : i32
    %mul3A_2 = arith.muli %add3A, %mul3A_1 : i32
    %add3A_3 = arith.constant 0 : i32
    %add3A_4 = arith.addi %mul3A_2, %add3A_3 : i32
    %dma_start3A = arith.constant 0 : i32
    %dma_start3A_5 = arith.constant 0 : i32
    %dma_start3A_6 = arith.constant 0 : i32
    %dma_start3A_7 = arith.constant 0 : i32
    %dma_start3A_8 = tpu.memref_slice %arg4[%dma_start3A, %dma_start3A_6, %dma_start3A_7] : memref<2x32x1024xf32, #tpu.memory_space<vmem>> -> memref<1x32x1024xf32, #tpu.memory_space<vmem>>
    %dma_start3A_9 = tpu.memref_squeeze %dma_start3A_8 : memref<1x32x1024xf32, #tpu.memory_space<vmem>> -> memref<32x1024xf32, #tpu.memory_space<vmem>>
    %dma_start3A_10 = arith.constant 0 : i32
    %dma_start3A_11 = tpu.memref_slice %arg2[%add3A_4, %dma_start3A_10] : memref<8192x1024xf32, #tpu.memory_space<hbm>> -> memref<32x1024xf32, #tpu.memory_space<hbm>>
    %dma_start3A_12 = tpu.memref_slice %arg5[%dma_start3A_5] : memref<2x!tpu.dma_semaphore, #tpu.memory_space<semaphore_mem>> -> memref<1x!tpu.dma_semaphore, #tpu.memory_space<semaphore_mem>>
    %dma_start3A_13 = tpu.memref_squeeze %dma_start3A_12 : memref<1x!tpu.dma_semaphore, #tpu.memory_space<semaphore_mem>> -> memref<!tpu.dma_semaphore, #tpu.memory_space<semaphore_mem>>
    %dma_start3A_14 = arith.constant 0 : i32
    %dma_start3A_15 = arith.constant 0 : i32
    %dma_start3A_16 = tpu.memref_slice %arg4[%dma_start3A, %dma_start3A_14, %dma_start3A_15] : memref<2x32x1024xf32, #tpu.memory_space<vmem>> -> memref<1x32x1024xf32, #tpu.memory_space<vmem>>
    %dma_start3A_17 = tpu.memref_squeeze %dma_start3A_16 : memref<1x32x1024xf32, #tpu.memory_space<vmem>> -> memref<32x1024xf32, #tpu.memory_space<vmem>>
    %dma_start3A_18 = arith.constant 0 : i32
    %dma_start3A_19 = tpu.memref_slice %arg2[%add3A_4, %dma_start3A_18] : memref<8192x1024xf32, #tpu.memory_space<hbm>> -> memref<32x1024xf32, #tpu.memory_space<hbm>>
    tpu.enqueue_dma source(%dma_start3A_19 : memref<32x1024xf32, #tpu.memory_space<hbm>>) target(%dma_start3A_17 : memref<32x1024xf32, #tpu.memory_space<vmem>>) target_semaphore(%dma_start3A_13 : memref<!tpu.dma_semaphore, #tpu.memory_space<semaphore_mem>>)
    %add3A_20 = arith.constant 32 : i32
    %add3A_21 = arith.addi %mul3A_2, %add3A_20 : i32
    %dma_start3A_22 = arith.constant 1 : i32
    %dma_start3A_23 = arith.constant 1 : i32
    %dma_start3A_24 = arith.constant 0 : i32
    %dma_start3A_25 = arith.constant 0 : i32
    %dma_start3A_26 = tpu.memref_slice %arg4[%dma_start3A_22, %dma_start3A_24, %dma_start3A_25] : memref<2x32x1024xf32, #tpu.memory_space<vmem>> -> memref<1x32x1024xf32, #tpu.memory_space<vmem>>
    %dma_start3A_27 = tpu.memref_squeeze %dma_start3A_26 : memref<1x32x1024xf32, #tpu.memory_space<vmem>> -> memref<32x1024xf32, #tpu.memory_space<vmem>>
    %dma_start3A_28 = arith.constant 0 : i32
    %dma_start3A_29 = tpu.memref_slice %arg2[%add3A_21, %dma_start3A_28] : memref<8192x1024xf32, #tpu.memory_space<hbm>> -> memref<32x1024xf32, #tpu.memory_space<hbm>>
    %dma_start3A_30 = tpu.memref_slice %arg5[%dma_start3A_23] : memref<2x!tpu.dma_semaphore, #tpu.memory_space<semaphore_mem>> -> memref<1x!tpu.dma_semaphore, #tpu.memory_space<semaphore_mem>>
    %dma_start3A_31 = tpu.memref_squeeze %dma_start3A_30 : memref<1x!tpu.dma_semaphore, #tpu.memory_space<semaphore_mem>> -> memref<!tpu.dma_semaphore, #tpu.memory_space<semaphore_mem>>
    %dma_start3A_32 = arith.constant 0 : i32
    %dma_start3A_33 = arith.constant 0 : i32
    %dma_start3A_34 = tpu.memref_slice %arg4[%dma_start3A_22, %dma_start3A_32, %dma_start3A_33] : memref<2x32x1024xf32, #tpu.memory_space<vmem>> -> memref<1x32x1024xf32, #tpu.memory_space<vmem>>
    %dma_start3A_35 = tpu.memref_squeeze %dma_start3A_34 : memref<1x32x1024xf32, #tpu.memory_space<vmem>> -> memref<32x1024xf32, #tpu.memory_space<vmem>>
    %dma_start3A_36 = arith.constant 0 : i32
    %dma_start3A_37 = tpu.memref_slice %arg2[%add3A_21, %dma_start3A_36] : memref<8192x1024xf32, #tpu.memory_space<hbm>> -> memref<32x1024xf32, #tpu.memory_space<hbm>>
    tpu.enqueue_dma source(%dma_start3A_37 : memref<32x1024xf32, #tpu.memory_space<hbm>>) target(%dma_start3A_35 : memref<32x1024xf32, #tpu.memory_space<vmem>>) target_semaphore(%dma_start3A_31 : memref<!tpu.dma_semaphore, #tpu.memory_space<semaphore_mem>>)
    %dma_wait3A = arith.constant 0 : i32
    %dma_wait3A_38 = arith.constant 0 : i32
    %dma_wait3A_39 = arith.constant 0 : i32
    %dma_wait3A_40 = arith.constant 0 : i32
    %dma_wait3A_41 = tpu.memref_slice %arg4[%dma_wait3A, %dma_wait3A_39, %dma_wait3A_40] : memref<2x32x1024xf32, #tpu.memory_space<vmem>> -> memref<1x32x1024xf32, #tpu.memory_space<vmem>>
    %dma_wait3A_42 = tpu.memref_squeeze %dma_wait3A_41 : memref<1x32x1024xf32, #tpu.memory_space<vmem>> -> memref<32x1024xf32, #tpu.memory_space<vmem>>
    %dma_wait3A_43 = arith.constant 0 : i32
    %dma_wait3A_44 = tpu.memref_slice %arg2[%add3A_4, %dma_wait3A_43] : memref<8192x1024xf32, #tpu.memory_space<hbm>> -> memref<32x1024xf32, #tpu.memory_space<hbm>>
    %dma_wait3A_45 = tpu.memref_slice %arg5[%dma_wait3A_38] : memref<2x!tpu.dma_semaphore, #tpu.memory_space<semaphore_mem>> -> memref<1x!tpu.dma_semaphore, #tpu.memory_space<semaphore_mem>>
    %dma_wait3A_46 = tpu.memref_squeeze %dma_wait3A_45 : memref<1x!tpu.dma_semaphore, #tpu.memory_space<semaphore_mem>> -> memref<!tpu.dma_semaphore, #tpu.memory_space<semaphore_mem>>
    %dma_wait3A_47 = arith.constant 0 : i32
    %dma_wait3A_48 = arith.constant 0 : i32
    %dma_wait3A_49 = tpu.memref_slice %arg4[%dma_wait3A, %dma_wait3A_47, %dma_wait3A_48] : memref<2x32x1024xf32, #tpu.memory_space<vmem>> -> memref<1x32x1024xf32, #tpu.memory_space<vmem>>
    %dma_wait3A_50 = tpu.memref_squeeze %dma_wait3A_49 : memref<1x32x1024xf32, #tpu.memory_space<vmem>> -> memref<32x1024xf32, #tpu.memory_space<vmem>>
    %dma_wait3A_51 = arith.constant 0 : i32
    %dma_wait3A_52 = tpu.memref_slice %arg2[%add3A_4, %dma_wait3A_51] : memref<8192x1024xf32, #tpu.memory_space<hbm>> -> memref<32x1024xf32, #tpu.memory_space<hbm>>
    tpu.wait_dma2 semaphore(%dma_wait3A_46 : memref<!tpu.dma_semaphore, #tpu.memory_space<semaphore_mem>>) src(%dma_wait3A_52 : memref<32x1024xf32, #tpu.memory_space<hbm>>) dst(%dma_wait3A_50 : memref<32x1024xf32, #tpu.memory_space<vmem>>)
    %add3A_53 = arith.constant 0 : i32
    %add3A_54 = arith.addi %mul3A_2, %add3A_53 : i32
    %dma_start3A_55 = arith.constant 0 : i32
    %dma_start3A_56 = arith.constant 0 : i32
    %dma_start3A_57 = arith.constant 0 : i32
    %dma_start3A_58 = arith.constant 0 : i32
    %dma_start3A_59 = tpu.memref_slice %arg4[%dma_start3A_55, %dma_start3A_57, %dma_start3A_58] : memref<2x32x1024xf32, #tpu.memory_space<vmem>> -> memref<1x32x1024xf32, #tpu.memory_space<vmem>>
    %dma_start3A_60 = tpu.memref_squeeze %dma_start3A_59 : memref<1x32x1024xf32, #tpu.memory_space<vmem>> -> memref<32x1024xf32, #tpu.memory_space<vmem>>
    %dma_start3A_61 = arith.constant 0 : i32
    %dma_start3A_62 = tpu.memref_slice %arg3[%dma_start3A_56, %add3A_54, %dma_start3A_61] : memref<4x4096x1024xf32, #tpu.memory_space<hbm>> -> memref<1x32x1024xf32, #tpu.memory_space<hbm>>
    %dma_start3A_63 = tpu.memref_squeeze %dma_start3A_62 : memref<1x32x1024xf32, #tpu.memory_space<hbm>> -> memref<32x1024xf32, #tpu.memory_space<hbm>>
    %dma_start3A_64 = arith.constant 0 : i32
    %dma_start3A_65 = tpu.memref_slice %arg3[%dma_start3A_56, %add3A_54, %dma_start3A_64] : memref<4x4096x1024xf32, #tpu.memory_space<hbm>> -> memref<1x32x1024xf32, #tpu.memory_space<hbm>>
    %dma_start3A_66 = tpu.memref_squeeze %dma_start3A_65 : memref<1x32x1024xf32, #tpu.memory_space<hbm>> -> memref<32x1024xf32, #tpu.memory_space<hbm>>
    %dma_start3A_67 = arith.constant 0 : i32
    %dma_start3A_68 = arith.constant 0 : i32
    %dma_start3A_69 = tpu.memref_slice %arg4[%dma_start3A_55, %dma_start3A_67, %dma_start3A_68] : memref<2x32x1024xf32, #tpu.memory_space<vmem>> -> memref<1x32x1024xf32, #tpu.memory_space<vmem>>
    %dma_start3A_70 = tpu.memref_squeeze %dma_start3A_69 : memref<1x32x1024xf32, #tpu.memory_space<vmem>> -> memref<32x1024xf32, #tpu.memory_space<vmem>>
    tpu.enqueue_dma source(%dma_start3A_70 : memref<32x1024xf32, #tpu.memory_space<vmem>>) target(%dma_start3A_66 : memref<32x1024xf32, #tpu.memory_space<hbm>>) target_semaphore(%arg6 : memref<!tpu.dma_semaphore, #tpu.memory_space<semaphore_mem>>)
    %dma_start3A_71 = arith.constant 0 : i32
    %dma_start3A_72 = arith.constant 1 : i32
    %dma_start3A_73 = arith.constant 0 : i32
    %dma_start3A_74 = arith.constant 0 : i32
    %dma_start3A_75 = tpu.memref_slice %arg4[%dma_start3A_71, %dma_start3A_73, %dma_start3A_74] : memref<2x32x1024xf32, #tpu.memory_space<vmem>> -> memref<1x32x1024xf32, #tpu.memory_space<vmem>>
    %dma_start3A_76 = tpu.memref_squeeze %dma_start3A_75 : memref<1x32x1024xf32, #tpu.memory_space<vmem>> -> memref<32x1024xf32, #tpu.memory_space<vmem>>
    %dma_start3A_77 = arith.constant 0 : i32
    %dma_start3A_78 = tpu.memref_slice %arg3[%dma_start3A_72, %add3A_54, %dma_start3A_77] : memref<4x4096x1024xf32, #tpu.memory_space<hbm>> -> memref<1x32x1024xf32, #tpu.memory_space<hbm>>
    %dma_start3A_79 = tpu.memref_squeeze %dma_start3A_78 : memref<1x32x1024xf32, #tpu.memory_space<hbm>> -> memref<32x1024xf32, #tpu.memory_space<hbm>>
    %dma_start3A_80 = arith.constant 0 : i32
    %dma_start3A_81 = tpu.memref_slice %arg3[%dma_start3A_72, %add3A_54, %dma_start3A_80] : memref<4x4096x1024xf32, #tpu.memory_space<hbm>> -> memref<1x32x1024xf32, #tpu.memory_space<hbm>>
    %dma_start3A_82 = tpu.memref_squeeze %dma_start3A_81 : memref<1x32x1024xf32, #tpu.memory_space<hbm>> -> memref<32x1024xf32, #tpu.memory_space<hbm>>
    %dma_start3A_83 = arith.constant 0 : i32
    %dma_start3A_84 = arith.constant 0 : i32
    %dma_start3A_85 = tpu.memref_slice %arg4[%dma_start3A_71, %dma_start3A_83, %dma_start3A_84] : memref<2x32x1024xf32, #tpu.memory_space<vmem>> -> memref<1x32x1024xf32, #tpu.memory_space<vmem>>
    %dma_start3A_86 = tpu.memref_squeeze %dma_start3A_85 : memref<1x32x1024xf32, #tpu.memory_space<vmem>> -> memref<32x1024xf32, #tpu.memory_space<vmem>>
    tpu.enqueue_dma source(%dma_start3A_86 : memref<32x1024xf32, #tpu.memory_space<vmem>>) target(%dma_start3A_82 : memref<32x1024xf32, #tpu.memory_space<hbm>>) target_semaphore(%arg6 : memref<!tpu.dma_semaphore, #tpu.memory_space<semaphore_mem>>)
    %dma_start3A_87 = arith.constant 0 : i32
    %dma_start3A_88 = arith.constant 2 : i32
    %dma_start3A_89 = arith.constant 0 : i32
    %dma_start3A_90 = arith.constant 0 : i32
    %dma_start3A_91 = tpu.memref_slice %arg4[%dma_start3A_87, %dma_start3A_89, %dma_start3A_90] : memref<2x32x1024xf32, #tpu.memory_space<vmem>> -> memref<1x32x1024xf32, #tpu.memory_space<vmem>>
    %dma_start3A_92 = tpu.memref_squeeze %dma_start3A_91 : memref<1x32x1024xf32, #tpu.memory_space<vmem>> -> memref<32x1024xf32, #tpu.memory_space<vmem>>
    %dma_start3A_93 = arith.constant 0 : i32
    %dma_start3A_94 = tpu.memref_slice %arg3[%dma_start3A_88, %add3A_54, %dma_start3A_93] : memref<4x4096x1024xf32, #tpu.memory_space<hbm>> -> memref<1x32x1024xf32, #tpu.memory_space<hbm>>
    %dma_start3A_95 = tpu.memref_squeeze %dma_start3A_94 : memref<1x32x1024xf32, #tpu.memory_space<hbm>> -> memref<32x1024xf32, #tpu.memory_space<hbm>>
    %dma_start3A_96 = arith.constant 0 : i32
    %dma_start3A_97 = tpu.memref_slice %arg3[%dma_start3A_88, %add3A_54, %dma_start3A_96] : memref<4x4096x1024xf32, #tpu.memory_space<hbm>> -> memref<1x32x1024xf32, #tpu.memory_space<hbm>>
    %dma_start3A_98 = tpu.memref_squeeze %dma_start3A_97 : memref<1x32x1024xf32, #tpu.memory_space<hbm>> -> memref<32x1024xf32, #tpu.memory_space<hbm>>
    %dma_start3A_99 = arith.constant 0 : i32
    %dma_start3A_100 = arith.constant 0 : i32
    %dma_start3A_101 = tpu.memref_slice %arg4[%dma_start3A_87, %dma_start3A_99, %dma_start3A_100] : memref<2x32x1024xf32, #tpu.memory_space<vmem>> -> memref<1x32x1024xf32, #tpu.memory_space<vmem>>
    %dma_start3A_102 = tpu.memref_squeeze %dma_start3A_101 : memref<1x32x1024xf32, #tpu.memory_space<vmem>> -> memref<32x1024xf32, #tpu.memory_space<vmem>>
    tpu.enqueue_dma source(%dma_start3A_102 : memref<32x1024xf32, #tpu.memory_space<vmem>>) target(%dma_start3A_98 : memref<32x1024xf32, #tpu.memory_space<hbm>>) target_semaphore(%arg6 : memref<!tpu.dma_semaphore, #tpu.memory_space<semaphore_mem>>)
    %dma_start3A_103 = arith.constant 0 : i32
    %dma_start3A_104 = arith.constant 3 : i32
    %dma_start3A_105 = arith.constant 0 : i32
    %dma_start3A_106 = arith.constant 0 : i32
    %dma_start3A_107 = tpu.memref_slice %arg4[%dma_start3A_103, %dma_start3A_105, %dma_start3A_106] : memref<2x32x1024xf32, #tpu.memory_space<vmem>> -> memref<1x32x1024xf32, #tpu.memory_space<vmem>>
    %dma_start3A_108 = tpu.memref_squeeze %dma_start3A_107 : memref<1x32x1024xf32, #tpu.memory_space<vmem>> -> memref<32x1024xf32, #tpu.memory_space<vmem>>
    %dma_start3A_109 = arith.constant 0 : i32
    %dma_start3A_110 = tpu.memref_slice %arg3[%dma_start3A_104, %add3A_54, %dma_start3A_109] : memref<4x4096x1024xf32, #tpu.memory_space<hbm>> -> memref<1x32x1024xf32, #tpu.memory_space<hbm>>
    %dma_start3A_111 = tpu.memref_squeeze %dma_start3A_110 : memref<1x32x1024xf32, #tpu.memory_space<hbm>> -> memref<32x1024xf32, #tpu.memory_space<hbm>>
    %dma_start3A_112 = arith.constant 0 : i32
    %dma_start3A_113 = tpu.memref_slice %arg3[%dma_start3A_104, %add3A_54, %dma_start3A_112] : memref<4x4096x1024xf32, #tpu.memory_space<hbm>> -> memref<1x32x1024xf32, #tpu.memory_space<hbm>>
    %dma_start3A_114 = tpu.memref_squeeze %dma_start3A_113 : memref<1x32x1024xf32, #tpu.memory_space<hbm>> -> memref<32x1024xf32, #tpu.memory_space<hbm>>
    %dma_start3A_115 = arith.constant 0 : i32
    %dma_start3A_116 = arith.constant 0 : i32
    %dma_start3A_117 = tpu.memref_slice %arg4[%dma_start3A_103, %dma_start3A_115, %dma_start3A_116] : memref<2x32x1024xf32, #tpu.memory_space<vmem>> -> memref<1x32x1024xf32, #tpu.memory_space<vmem>>
    %dma_start3A_118 = tpu.memref_squeeze %dma_start3A_117 : memref<1x32x1024xf32, #tpu.memory_space<vmem>> -> memref<32x1024xf32, #tpu.memory_space<vmem>>
    tpu.enqueue_dma source(%dma_start3A_118 : memref<32x1024xf32, #tpu.memory_space<vmem>>) target(%dma_start3A_114 : memref<32x1024xf32, #tpu.memory_space<hbm>>) target_semaphore(%arg6 : memref<!tpu.dma_semaphore, #tpu.memory_space<semaphore_mem>>)
    %dma_wait3A_119 = arith.constant 0 : i32
    %dma_wait3A_120 = arith.constant 0 : i32
    %dma_wait3A_121 = arith.constant 0 : i32
    %dma_wait3A_122 = arith.constant 0 : i32
    %dma_wait3A_123 = tpu.memref_slice %arg4[%dma_wait3A_119, %dma_wait3A_121, %dma_wait3A_122] : memref<2x32x1024xf32, #tpu.memory_space<vmem>> -> memref<1x32x1024xf32, #tpu.memory_space<vmem>>
    %dma_wait3A_124 = tpu.memref_squeeze %dma_wait3A_123 : memref<1x32x1024xf32, #tpu.memory_space<vmem>> -> memref<32x1024xf32, #tpu.memory_space<vmem>>
    %dma_wait3A_125 = arith.constant 0 : i32
    %dma_wait3A_126 = tpu.memref_slice %arg3[%dma_wait3A_120, %add3A_54, %dma_wait3A_125] : memref<4x4096x1024xf32, #tpu.memory_space<hbm>> -> memref<1x32x1024xf32, #tpu.memory_space<hbm>>
    %dma_wait3A_127 = tpu.memref_squeeze %dma_wait3A_126 : memref<1x32x1024xf32, #tpu.memory_space<hbm>> -> memref<32x1024xf32, #tpu.memory_space<hbm>>
    %dma_wait3A_128 = arith.constant 0 : i32
    %dma_wait3A_129 = tpu.memref_slice %arg3[%dma_wait3A_120, %add3A_54, %dma_wait3A_128] : memref<4x4096x1024xf32, #tpu.memory_space<hbm>> -> memref<1x32x1024xf32, #tpu.memory_space<hbm>>
    %dma_wait3A_130 = tpu.memref_squeeze %dma_wait3A_129 : memref<1x32x1024xf32, #tpu.memory_space<hbm>> -> memref<32x1024xf32, #tpu.memory_space<hbm>>
    %dma_wait3A_131 = arith.constant 0 : i32
    %dma_wait3A_132 = arith.constant 0 : i32
    %dma_wait3A_133 = tpu.memref_slice %arg4[%dma_wait3A_119, %dma_wait3A_131, %dma_wait3A_132] : memref<2x32x1024xf32, #tpu.memory_space<vmem>> -> memref<1x32x1024xf32, #tpu.memory_space<vmem>>
    %dma_wait3A_134 = tpu.memref_squeeze %dma_wait3A_133 : memref<1x32x1024xf32, #tpu.memory_space<vmem>> -> memref<32x1024xf32, #tpu.memory_space<vmem>>
    tpu.wait_dma2 semaphore(%arg6 : memref<!tpu.dma_semaphore, #tpu.memory_space<semaphore_mem>>) src(%dma_wait3A_134 : memref<32x1024xf32, #tpu.memory_space<vmem>>) dst(%dma_wait3A_130 : memref<32x1024xf32, #tpu.memory_space<hbm>>)
    %dma_wait3A_135 = arith.constant 0 : i32
    %dma_wait3A_136 = arith.constant 1 : i32
    %dma_wait3A_137 = arith.constant 0 : i32
    %dma_wait3A_138 = arith.constant 0 : i32
    %dma_wait3A_139 = tpu.memref_slice %arg4[%dma_wait3A_135, %dma_wait3A_137, %dma_wait3A_138] : memref<2x32x1024xf32, #tpu.memory_space<vmem>> -> memref<1x32x1024xf32, #tpu.memory_space<vmem>>
    %dma_wait3A_140 = tpu.memref_squeeze %dma_wait3A_139 : memref<1x32x1024xf32, #tpu.memory_space<vmem>> -> memref<32x1024xf32, #tpu.memory_space<vmem>>
    %dma_wait3A_141 = arith.constant 0 : i32
    %dma_wait3A_142 = tpu.memref_slice %arg3[%dma_wait3A_136, %add3A_54, %dma_wait3A_141] : memref<4x4096x1024xf32, #tpu.memory_space<hbm>> -> memref<1x32x1024xf32, #tpu.memory_space<hbm>>
    %dma_wait3A_143 = tpu.memref_squeeze %dma_wait3A_142 : memref<1x32x1024xf32, #tpu.memory_space<hbm>> -> memref<32x1024xf32, #tpu.memory_space<hbm>>
    %dma_wait3A_144 = arith.constant 0 : i32
    %dma_wait3A_145 = tpu.memref_slice %arg3[%dma_wait3A_136, %add3A_54, %dma_wait3A_144] : memref<4x4096x1024xf32, #tpu.memory_space<hbm>> -> memref<1x32x1024xf32, #tpu.memory_space<hbm>>
    %dma_wait3A_146 = tpu.memref_squeeze %dma_wait3A_145 : memref<1x32x1024xf32, #tpu.memory_space<hbm>> -> memref<32x1024xf32, #tpu.memory_space<hbm>>
    %dma_wait3A_147 = arith.constant 0 : i32
    %dma_wait3A_148 = arith.constant 0 : i32
    %dma_wait3A_149 = tpu.memref_slice %arg4[%dma_wait3A_135, %dma_wait3A_147, %dma_wait3A_148] : memref<2x32x1024xf32, #tpu.memory_space<vmem>> -> memref<1x32x1024xf32, #tpu.memory_space<vmem>>
    %dma_wait3A_150 = tpu.memref_squeeze %dma_wait3A_149 : memref<1x32x1024xf32, #tpu.memory_space<vmem>> -> memref<32x1024xf32, #tpu.memory_space<vmem>>
    tpu.wait_dma2 semaphore(%arg6 : memref<!tpu.dma_semaphore, #tpu.memory_space<semaphore_mem>>) src(%dma_wait3A_150 : memref<32x1024xf32, #tpu.memory_space<vmem>>) dst(%dma_wait3A_146 : memref<32x1024xf32, #tpu.memory_space<hbm>>)
    %dma_wait3A_151 = arith.constant 0 : i32
    %dma_wait3A_152 = arith.constant 2 : i32
    %dma_wait3A_153 = arith.constant 0 : i32
    %dma_wait3A_154 = arith.constant 0 : i32
    %dma_wait3A_155 = tpu.memref_slice %arg4[%dma_wait3A_151, %dma_wait3A_153, %dma_wait3A_154] : memref<2x32x1024xf32, #tpu.memory_space<vmem>> -> memref<1x32x1024xf32, #tpu.memory_space<vmem>>
    %dma_wait3A_156 = tpu.memref_squeeze %dma_wait3A_155 : memref<1x32x1024xf32, #tpu.memory_space<vmem>> -> memref<32x1024xf32, #tpu.memory_space<vmem>>
    %dma_wait3A_157 = arith.constant 0 : i32
    %dma_wait3A_158 = tpu.memref_slice %arg3[%dma_wait3A_152, %add3A_54, %dma_wait3A_157] : memref<4x4096x1024xf32, #tpu.memory_space<hbm>> -> memref<1x32x1024xf32, #tpu.memory_space<hbm>>
    %dma_wait3A_159 = tpu.memref_squeeze %dma_wait3A_158 : memref<1x32x1024xf32, #tpu.memory_space<hbm>> -> memref<32x1024xf32, #tpu.memory_space<hbm>>
    %dma_wait3A_160 = arith.constant 0 : i32
    %dma_wait3A_161 = tpu.memref_slice %arg3[%dma_wait3A_152, %add3A_54, %dma_wait3A_160] : memref<4x4096x1024xf32, #tpu.memory_space<hbm>> -> memref<1x32x1024xf32, #tpu.memory_space<hbm>>
    %dma_wait3A_162 = tpu.memref_squeeze %dma_wait3A_161 : memref<1x32x1024xf32, #tpu.memory_space<hbm>> -> memref<32x1024xf32, #tpu.memory_space<hbm>>
    %dma_wait3A_163 = arith.constant 0 : i32
    %dma_wait3A_164 = arith.constant 0 : i32
    %dma_wait3A_165 = tpu.memref_slice %arg4[%dma_wait3A_151, %dma_wait3A_163, %dma_wait3A_164] : memref<2x32x1024xf32, #tpu.memory_space<vmem>> -> memref<1x32x1024xf32, #tpu.memory_space<vmem>>
    %dma_wait3A_166 = tpu.memref_squeeze %dma_wait3A_165 : memref<1x32x1024xf32, #tpu.memory_space<vmem>> -> memref<32x1024xf32, #tpu.memory_space<vmem>>
    tpu.wait_dma2 semaphore(%arg6 : memref<!tpu.dma_semaphore, #tpu.memory_space<semaphore_mem>>) src(%dma_wait3A_166 : memref<32x1024xf32, #tpu.memory_space<vmem>>) dst(%dma_wait3A_162 : memref<32x1024xf32, #tpu.memory_space<hbm>>)
    %dma_wait3A_167 = arith.constant 0 : i32
    %dma_wait3A_168 = arith.constant 3 : i32
    %dma_wait3A_169 = arith.constant 0 : i32
    %dma_wait3A_170 = arith.constant 0 : i32
    %dma_wait3A_171 = tpu.memref_slice %arg4[%dma_wait3A_167, %dma_wait3A_169, %dma_wait3A_170] : memref<2x32x1024xf32, #tpu.memory_space<vmem>> -> memref<1x32x1024xf32, #tpu.memory_space<vmem>>
    %dma_wait3A_172 = tpu.memref_squeeze %dma_wait3A_171 : memref<1x32x1024xf32, #tpu.memory_space<vmem>> -> memref<32x1024xf32, #tpu.memory_space<vmem>>
    %dma_wait3A_173 = arith.constant 0 : i32
    %dma_wait3A_174 = tpu.memref_slice %arg3[%dma_wait3A_168, %add3A_54, %dma_wait3A_173] : memref<4x4096x1024xf32, #tpu.memory_space<hbm>> -> memref<1x32x1024xf32, #tpu.memory_space<hbm>>
    %dma_wait3A_175 = tpu.memref_squeeze %dma_wait3A_174 : memref<1x32x1024xf32, #tpu.memory_space<hbm>> -> memref<32x1024xf32, #tpu.memory_space<hbm>>
    %dma_wait3A_176 = arith.constant 0 : i32
    %dma_wait3A_177 = tpu.memref_slice %arg3[%dma_wait3A_168, %add3A_54, %dma_wait3A_176] : memref<4x4096x1024xf32, #tpu.memory_space<hbm>> -> memref<1x32x1024xf32, #tpu.memory_space<hbm>>
    %dma_wait3A_178 = tpu.memref_squeeze %dma_wait3A_177 : memref<1x32x1024xf32, #tpu.memory_space<hbm>> -> memref<32x1024xf32, #tpu.memory_space<hbm>>
    %dma_wait3A_179 = arith.constant 0 : i32
    %dma_wait3A_180 = arith.constant 0 : i32
    %dma_wait3A_181 = tpu.memref_slice %arg4[%dma_wait3A_167, %dma_wait3A_179, %dma_wait3A_180] : memref<2x32x1024xf32, #tpu.memory_space<vmem>> -> memref<1x32x1024xf32, #tpu.memory_space<vmem>>
    %dma_wait3A_182 = tpu.memref_squeeze %dma_wait3A_181 : memref<1x32x1024xf32, #tpu.memory_space<vmem>> -> memref<32x1024xf32, #tpu.memory_space<vmem>>
    tpu.wait_dma2 semaphore(%arg6 : memref<!tpu.dma_semaphore, #tpu.memory_space<semaphore_mem>>) src(%dma_wait3A_182 : memref<32x1024xf32, #tpu.memory_space<vmem>>) dst(%dma_wait3A_178 : memref<32x1024xf32, #tpu.memory_space<hbm>>)
    %add3A_183 = arith.constant 64 : i32
    %add3A_184 = arith.addi %mul3A_2, %add3A_183 : i32
    %dma_start3A_185 = arith.constant 0 : i32
    %dma_start3A_186 = arith.constant 0 : i32
    %dma_start3A_187 = arith.constant 0 : i32
    %dma_start3A_188 = arith.constant 0 : i32
    %dma_start3A_189 = tpu.memref_slice %arg4[%dma_start3A_185, %dma_start3A_187, %dma_start3A_188] : memref<2x32x1024xf32, #tpu.memory_space<vmem>> -> memref<1x32x1024xf32, #tpu.memory_space<vmem>>
    %dma_start3A_190 = tpu.memref_squeeze %dma_start3A_189 : memref<1x32x1024xf32, #tpu.memory_space<vmem>> -> memref<32x1024xf32, #tpu.memory_space<vmem>>
    %dma_start3A_191 = arith.constant 0 : i32
    %dma_start3A_192 = tpu.memref_slice %arg2[%add3A_184, %dma_start3A_191] : memref<8192x1024xf32, #tpu.memory_space<hbm>> -> memref<32x1024xf32, #tpu.memory_space<hbm>>
    %dma_start3A_193 = tpu.memref_slice %arg5[%dma_start3A_186] : memref<2x!tpu.dma_semaphore, #tpu.memory_space<semaphore_mem>> -> memref<1x!tpu.dma_semaphore, #tpu.memory_space<semaphore_mem>>
    %dma_start3A_194 = tpu.memref_squeeze %dma_start3A_193 : memref<1x!tpu.dma_semaphore, #tpu.memory_space<semaphore_mem>> -> memref<!tpu.dma_semaphore, #tpu.memory_space<semaphore_mem>>
    %dma_start3A_195 = arith.constant 0 : i32
    %dma_start3A_196 = arith.constant 0 : i32
    %dma_start3A_197 = tpu.memref_slice %arg4[%dma_start3A_185, %dma_start3A_195, %dma_start3A_196] : memref<2x32x1024xf32, #tpu.memory_space<vmem>> -> memref<1x32x1024xf32, #tpu.memory_space<vmem>>
    %dma_start3A_198 = tpu.memref_squeeze %dma_start3A_197 : memref<1x32x1024xf32, #tpu.memory_space<vmem>> -> memref<32x1024xf32, #tpu.memory_space<vmem>>
    %dma_start3A_199 = arith.constant 0 : i32
    %dma_start3A_200 = tpu.memref_slice %arg2[%add3A_184, %dma_start3A_199] : memref<8192x1024xf32, #tpu.memory_space<hbm>> -> memref<32x1024xf32, #tpu.memory_space<hbm>>
    tpu.enqueue_dma source(%dma_start3A_200 : memref<32x1024xf32, #tpu.memory_space<hbm>>) target(%dma_start3A_198 : memref<32x1024xf32, #tpu.memory_space<vmem>>) target_semaphore(%dma_start3A_194 : memref<!tpu.dma_semaphore, #tpu.memory_space<semaphore_mem>>)
    %dma_wait3A_201 = arith.constant 1 : i32
    %dma_wait3A_202 = arith.constant 1 : i32
    %dma_wait3A_203 = arith.constant 0 : i32
    %dma_wait3A_204 = arith.constant 0 : i32
    %dma_wait3A_205 = tpu.memref_slice %arg4[%dma_wait3A_201, %dma_wait3A_203, %dma_wait3A_204] : memref<2x32x1024xf32, #tpu.memory_space<vmem>> -> memref<1x32x1024xf32, #tpu.memory_space<vmem>>
    %dma_wait3A_206 = tpu.memref_squeeze %dma_wait3A_205 : memref<1x32x1024xf32, #tpu.memory_space<vmem>> -> memref<32x1024xf32, #tpu.memory_space<vmem>>
    %dma_wait3A_207 = arith.constant 0 : i32
    %dma_wait3A_208 = tpu.memref_slice %arg2[%add3A_21, %dma_wait3A_207] : memref<8192x1024xf32, #tpu.memory_space<hbm>> -> memref<32x1024xf32, #tpu.memory_space<hbm>>
    %dma_wait3A_209 = tpu.memref_slice %arg5[%dma_wait3A_202] : memref<2x!tpu.dma_semaphore, #tpu.memory_space<semaphore_mem>> -> memref<1x!tpu.dma_semaphore, #tpu.memory_space<semaphore_mem>>
    %dma_wait3A_210 = tpu.memref_squeeze %dma_wait3A_209 : memref<1x!tpu.dma_semaphore, #tpu.memory_space<semaphore_mem>> -> memref<!tpu.dma_semaphore, #tpu.memory_space<semaphore_mem>>
    %dma_wait3A_211 = arith.constant 0 : i32
    %dma_wait3A_212 = arith.constant 0 : i32
    %dma_wait3A_213 = tpu.memref_slice %arg4[%dma_wait3A_201, %dma_wait3A_211, %dma_wait3A_212] : memref<2x32x1024xf32, #tpu.memory_space<vmem>> -> memref<1x32x1024xf32, #tpu.memory_space<vmem>>
    %dma_wait3A_214 = tpu.memref_squeeze %dma_wait3A_213 : memref<1x32x1024xf32, #tpu.memory_space<vmem>> -> memref<32x1024xf32, #tpu.memory_space<vmem>>
    %dma_wait3A_215 = arith.constant 0 : i32
    %dma_wait3A_216 = tpu.memref_slice %arg2[%add3A_21, %dma_wait3A_215] : memref<8192x1024xf32, #tpu.memory_space<hbm>> -> memref<32x1024xf32, #tpu.memory_space<hbm>>
    tpu.wait_dma2 semaphore(%dma_wait3A_210 : memref<!tpu.dma_semaphore, #tpu.memory_space<semaphore_mem>>) src(%dma_wait3A_216 : memref<32x1024xf32, #tpu.memory_space<hbm>>) dst(%dma_wait3A_214 : memref<32x1024xf32, #tpu.memory_space<vmem>>)
    %add3A_217 = arith.constant 32 : i32
    %add3A_218 = arith.addi %mul3A_2, %add3A_217 : i32
    %dma_start3A_219 = arith.constant 1 : i32
    %dma_start3A_220 = arith.constant 0 : i32
    %dma_start3A_221 = arith.constant 0 : i32
    %dma_start3A_222 = arith.constant 0 : i32
    %dma_start3A_223 = tpu.memref_slice %arg4[%dma_start3A_219, %dma_start3A_221, %dma_start3A_222] : memref<2x32x1024xf32, #tpu.memory_space<vmem>> -> memref<1x32x1024xf32, #tpu.memory_space<vmem>>
    %dma_start3A_224 = tpu.memref_squeeze %dma_start3A_223 : memref<1x32x1024xf32, #tpu.memory_space<vmem>> -> memref<32x1024xf32, #tpu.memory_space<vmem>>
    %dma_start3A_225 = arith.constant 0 : i32
    %dma_start3A_226 = tpu.memref_slice %arg3[%dma_start3A_220, %add3A_218, %dma_start3A_225] : memref<4x4096x1024xf32, #tpu.memory_space<hbm>> -> memref<1x32x1024xf32, #tpu.memory_space<hbm>>
    %dma_start3A_227 = tpu.memref_squeeze %dma_start3A_226 : memref<1x32x1024xf32, #tpu.memory_space<hbm>> -> memref<32x1024xf32, #tpu.memory_space<hbm>>
    %dma_start3A_228 = arith.constant 0 : i32
    %dma_start3A_229 = tpu.memref_slice %arg3[%dma_start3A_220, %add3A_218, %dma_start3A_228] : memref<4x4096x1024xf32, #tpu.memory_space<hbm>> -> memref<1x32x1024xf32, #tpu.memory_space<hbm>>
    %dma_start3A_230 = tpu.memref_squeeze %dma_start3A_229 : memref<1x32x1024xf32, #tpu.memory_space<hbm>> -> memref<32x1024xf32, #tpu.memory_space<hbm>>
    %dma_start3A_231 = arith.constant 0 : i32
    %dma_start3A_232 = arith.constant 0 : i32
    %dma_start3A_233 = tpu.memref_slice %arg4[%dma_start3A_219, %dma_start3A_231, %dma_start3A_232] : memref<2x32x1024xf32, #tpu.memory_space<vmem>> -> memref<1x32x1024xf32, #tpu.memory_space<vmem>>
    %dma_start3A_234 = tpu.memref_squeeze %dma_start3A_233 : memref<1x32x1024xf32, #tpu.memory_space<vmem>> -> memref<32x1024xf32, #tpu.memory_space<vmem>>
    tpu.enqueue_dma source(%dma_start3A_234 : memref<32x1024xf32, #tpu.memory_space<vmem>>) target(%dma_start3A_230 : memref<32x1024xf32, #tpu.memory_space<hbm>>) target_semaphore(%arg6 : memref<!tpu.dma_semaphore, #tpu.memory_space<semaphore_mem>>)
    %dma_start3A_235 = arith.constant 1 : i32
    %dma_start3A_236 = arith.constant 1 : i32
    %dma_start3A_237 = arith.constant 0 : i32
    %dma_start3A_238 = arith.constant 0 : i32
    %dma_start3A_239 = tpu.memref_slice %arg4[%dma_start3A_235, %dma_start3A_237, %dma_start3A_238] : memref<2x32x1024xf32, #tpu.memory_space<vmem>> -> memref<1x32x1024xf32, #tpu.memory_space<vmem>>
    %dma_start3A_240 = tpu.memref_squeeze %dma_start3A_239 : memref<1x32x1024xf32, #tpu.memory_space<vmem>> -> memref<32x1024xf32, #tpu.memory_space<vmem>>
    %dma_start3A_241 = arith.constant 0 : i32
    %dma_start3A_242 = tpu.memref_slice %arg3[%dma_start3A_236, %add3A_218, %dma_start3A_241] : memref<4x4096x1024xf32, #tpu.memory_space<hbm>> -> memref<1x32x1024xf32, #tpu.memory_space<hbm>>
    %dma_start3A_243 = tpu.memref_squeeze %dma_start3A_242 : memref<1x32x1024xf32, #tpu.memory_space<hbm>> -> memref<32x1024xf32, #tpu.memory_space<hbm>>
    %dma_start3A_244 = arith.constant 0 : i32
    %dma_start3A_245 = tpu.memref_slice %arg3[%dma_start3A_236, %add3A_218, %dma_start3A_244] : memref<4x4096x1024xf32, #tpu.memory_space<hbm>> -> memref<1x32x1024xf32, #tpu.memory_space<hbm>>
    %dma_start3A_246 = tpu.memref_squeeze %dma_start3A_245 : memref<1x32x1024xf32, #tpu.memory_space<hbm>> -> memref<32x1024xf32, #tpu.memory_space<hbm>>
    %dma_start3A_247 = arith.constant 0 : i32
    %dma_start3A_248 = arith.constant 0 : i32
    %dma_start3A_249 = tpu.memref_slice %arg4[%dma_start3A_235, %dma_start3A_247, %dma_start3A_248] : memref<2x32x1024xf32, #tpu.memory_space<vmem>> -> memref<1x32x1024xf32, #tpu.memory_space<vmem>>
    %dma_start3A_250 = tpu.memref_squeeze %dma_start3A_249 : memref<1x32x1024xf32, #tpu.memory_space<vmem>> -> memref<32x1024xf32, #tpu.memory_space<vmem>>
    tpu.enqueue_dma source(%dma_start3A_250 : memref<32x1024xf32, #tpu.memory_space<vmem>>) target(%dma_start3A_246 : memref<32x1024xf32, #tpu.memory_space<hbm>>) target_semaphore(%arg6 : memref<!tpu.dma_semaphore, #tpu.memory_space<semaphore_mem>>)
    %dma_start3A_251 = arith.constant 1 : i32
    %dma_start3A_252 = arith.constant 2 : i32
    %dma_start3A_253 = arith.constant 0 : i32
    %dma_start3A_254 = arith.constant 0 : i32
    %dma_start3A_255 = tpu.memref_slice %arg4[%dma_start3A_251, %dma_start3A_253, %dma_start3A_254] : memref<2x32x1024xf32, #tpu.memory_space<vmem>> -> memref<1x32x1024xf32, #tpu.memory_space<vmem>>
    %dma_start3A_256 = tpu.memref_squeeze %dma_start3A_255 : memref<1x32x1024xf32, #tpu.memory_space<vmem>> -> memref<32x1024xf32, #tpu.memory_space<vmem>>
    %dma_start3A_257 = arith.constant 0 : i32
    %dma_start3A_258 = tpu.memref_slice %arg3[%dma_start3A_252, %add3A_218, %dma_start3A_257] : memref<4x4096x1024xf32, #tpu.memory_space<hbm>> -> memref<1x32x1024xf32, #tpu.memory_space<hbm>>
    %dma_start3A_259 = tpu.memref_squeeze %dma_start3A_258 : memref<1x32x1024xf32, #tpu.memory_space<hbm>> -> memref<32x1024xf32, #tpu.memory_space<hbm>>
    %dma_start3A_260 = arith.constant 0 : i32
    %dma_start3A_261 = tpu.memref_slice %arg3[%dma_start3A_252, %add3A_218, %dma_start3A_260] : memref<4x4096x1024xf32, #tpu.memory_space<hbm>> -> memref<1x32x1024xf32, #tpu.memory_space<hbm>>
    %dma_start3A_262 = tpu.memref_squeeze %dma_start3A_261 : memref<1x32x1024xf32, #tpu.memory_space<hbm>> -> memref<32x1024xf32, #tpu.memory_space<hbm>>
    %dma_start3A_263 = arith.constant 0 : i32
    %dma_start3A_264 = arith.constant 0 : i32
    %dma_start3A_265 = tpu.memref_slice %arg4[%dma_start3A_251, %dma_start3A_263, %dma_start3A_264] : memref<2x32x1024xf32, #tpu.memory_space<vmem>> -> memref<1x32x1024xf32, #tpu.memory_space<vmem>>
    %dma_start3A_266 = tpu.memref_squeeze %dma_start3A_265 : memref<1x32x1024xf32, #tpu.memory_space<vmem>> -> memref<32x1024xf32, #tpu.memory_space<vmem>>
    tpu.enqueue_dma source(%dma_start3A_266 : memref<32x1024xf32, #tpu.memory_space<vmem>>) target(%dma_start3A_262 : memref<32x1024xf32, #tpu.memory_space<hbm>>) target_semaphore(%arg6 : memref<!tpu.dma_semaphore, #tpu.memory_space<semaphore_mem>>)
    %dma_start3A_267 = arith.constant 1 : i32
    %dma_start3A_268 = arith.constant 3 : i32
    %dma_start3A_269 = arith.constant 0 : i32
    %dma_start3A_270 = arith.constant 0 : i32
    %dma_start3A_271 = tpu.memref_slice %arg4[%dma_start3A_267, %dma_start3A_269, %dma_start3A_270] : memref<2x32x1024xf32, #tpu.memory_space<vmem>> -> memref<1x32x1024xf32, #tpu.memory_space<vmem>>
    %dma_start3A_272 = tpu.memref_squeeze %dma_start3A_271 : memref<1x32x1024xf32, #tpu.memory_space<vmem>> -> memref<32x1024xf32, #tpu.memory_space<vmem>>
    %dma_start3A_273 = arith.constant 0 : i32
    %dma_start3A_274 = tpu.memref_slice %arg3[%dma_start3A_268, %add3A_218, %dma_start3A_273] : memref<4x4096x1024xf32, #tpu.memory_space<hbm>> -> memref<1x32x1024xf32, #tpu.memory_space<hbm>>
    %dma_start3A_275 = tpu.memref_squeeze %dma_start3A_274 : memref<1x32x1024xf32, #tpu.memory_space<hbm>> -> memref<32x1024xf32, #tpu.memory_space<hbm>>
    %dma_start3A_276 = arith.constant 0 : i32
    %dma_start3A_277 = tpu.memref_slice %arg3[%dma_start3A_268, %add3A_218, %dma_start3A_276] : memref<4x4096x1024xf32, #tpu.memory_space<hbm>> -> memref<1x32x1024xf32, #tpu.memory_space<hbm>>
    %dma_start3A_278 = tpu.memref_squeeze %dma_start3A_277 : memref<1x32x1024xf32, #tpu.memory_space<hbm>> -> memref<32x1024xf32, #tpu.memory_space<hbm>>
    %dma_start3A_279 = arith.constant 0 : i32
    %dma_start3A_280 = arith.constant 0 : i32
    %dma_start3A_281 = tpu.memref_slice %arg4[%dma_start3A_267, %dma_start3A_279, %dma_start3A_280] : memref<2x32x1024xf32, #tpu.memory_space<vmem>> -> memref<1x32x1024xf32, #tpu.memory_space<vmem>>
    %dma_start3A_282 = tpu.memref_squeeze %dma_start3A_281 : memref<1x32x1024xf32, #tpu.memory_space<vmem>> -> memref<32x1024xf32, #tpu.memory_space<vmem>>
    tpu.enqueue_dma source(%dma_start3A_282 : memref<32x1024xf32, #tpu.memory_space<vmem>>) target(%dma_start3A_278 : memref<32x1024xf32, #tpu.memory_space<hbm>>) target_semaphore(%arg6 : memref<!tpu.dma_semaphore, #tpu.memory_space<semaphore_mem>>)
    %dma_wait3A_283 = arith.constant 1 : i32
    %dma_wait3A_284 = arith.constant 0 : i32
    %dma_wait3A_285 = arith.constant 0 : i32
    %dma_wait3A_286 = arith.constant 0 : i32
    %dma_wait3A_287 = tpu.memref_slice %arg4[%dma_wait3A_283, %dma_wait3A_285, %dma_wait3A_286] : memref<2x32x1024xf32, #tpu.memory_space<vmem>> -> memref<1x32x1024xf32, #tpu.memory_space<vmem>>
    %dma_wait3A_288 = tpu.memref_squeeze %dma_wait3A_287 : memref<1x32x1024xf32, #tpu.memory_space<vmem>> -> memref<32x1024xf32, #tpu.memory_space<vmem>>
    %dma_wait3A_289 = arith.constant 0 : i32
    %dma_wait3A_290 = tpu.memref_slice %arg3[%dma_wait3A_284, %add3A_218, %dma_wait3A_289] : memref<4x4096x1024xf32, #tpu.memory_space<hbm>> -> memref<1x32x1024xf32, #tpu.memory_space<hbm>>
    %dma_wait3A_291 = tpu.memref_squeeze %dma_wait3A_290 : memref<1x32x1024xf32, #tpu.memory_space<hbm>> -> memref<32x1024xf32, #tpu.memory_space<hbm>>
    %dma_wait3A_292 = arith.constant 0 : i32
    %dma_wait3A_293 = tpu.memref_slice %arg3[%dma_wait3A_284, %add3A_218, %dma_wait3A_292] : memref<4x4096x1024xf32, #tpu.memory_space<hbm>> -> memref<1x32x1024xf32, #tpu.memory_space<hbm>>
    %dma_wait3A_294 = tpu.memref_squeeze %dma_wait3A_293 : memref<1x32x1024xf32, #tpu.memory_space<hbm>> -> memref<32x1024xf32, #tpu.memory_space<hbm>>
    %dma_wait3A_295 = arith.constant 0 : i32
    %dma_wait3A_296 = arith.constant 0 : i32
    %dma_wait3A_297 = tpu.memref_slice %arg4[%dma_wait3A_283, %dma_wait3A_295, %dma_wait3A_296] : memref<2x32x1024xf32, #tpu.memory_space<vmem>> -> memref<1x32x1024xf32, #tpu.memory_space<vmem>>
    %dma_wait3A_298 = tpu.memref_squeeze %dma_wait3A_297 : memref<1x32x1024xf32, #tpu.memory_space<vmem>> -> memref<32x1024xf32, #tpu.memory_space<vmem>>
    tpu.wait_dma2 semaphore(%arg6 : memref<!tpu.dma_semaphore, #tpu.memory_space<semaphore_mem>>) src(%dma_wait3A_298 : memref<32x1024xf32, #tpu.memory_space<vmem>>) dst(%dma_wait3A_294 : memref<32x1024xf32, #tpu.memory_space<hbm>>)
    %dma_wait3A_299 = arith.constant 1 : i32
    %dma_wait3A_300 = arith.constant 1 : i32
    %dma_wait3A_301 = arith.constant 0 : i32
    %dma_wait3A_302 = arith.constant 0 : i32
    %dma_wait3A_303 = tpu.memref_slice %arg4[%dma_wait3A_299, %dma_wait3A_301, %dma_wait3A_302] : memref<2x32x1024xf32, #tpu.memory_space<vmem>> -> memref<1x32x1024xf32, #tpu.memory_space<vmem>>
    %dma_wait3A_304 = tpu.memref_squeeze %dma_wait3A_303 : memref<1x32x1024xf32, #tpu.memory_space<vmem>> -> memref<32x1024xf32, #tpu.memory_space<vmem>>
    %dma_wait3A_305 = arith.constant 0 : i32
    %dma_wait3A_306 = tpu.memref_slice %arg3[%dma_wait3A_300, %add3A_218, %dma_wait3A_305] : memref<4x4096x1024xf32, #tpu.memory_space<hbm>> -> memref<1x32x1024xf32, #tpu.memory_space<hbm>>
    %dma_wait3A_307 = tpu.memref_squeeze %dma_wait3A_306 : memref<1x32x1024xf32, #tpu.memory_space<hbm>> -> memref<32x1024xf32, #tpu.memory_space<hbm>>
    %dma_wait3A_308 = arith.constant 0 : i32
    %dma_wait3A_309 = tpu.memref_slice %arg3[%dma_wait3A_300, %add3A_218, %dma_wait3A_308] : memref<4x4096x1024xf32, #tpu.memory_space<hbm>> -> memref<1x32x1024xf32, #tpu.memory_space<hbm>>
    %dma_wait3A_310 = tpu.memref_squeeze %dma_wait3A_309 : memref<1x32x1024xf32, #tpu.memory_space<hbm>> -> memref<32x1024xf32, #tpu.memory_space<hbm>>
    %dma_wait3A_311 = arith.constant 0 : i32
    %dma_wait3A_312 = arith.constant 0 : i32
    %dma_wait3A_313 = tpu.memref_slice %arg4[%dma_wait3A_299, %dma_wait3A_311, %dma_wait3A_312] : memref<2x32x1024xf32, #tpu.memory_space<vmem>> -> memref<1x32x1024xf32, #tpu.memory_space<vmem>>
    %dma_wait3A_314 = tpu.memref_squeeze %dma_wait3A_313 : memref<1x32x1024xf32, #tpu.memory_space<vmem>> -> memref<32x1024xf32, #tpu.memory_space<vmem>>
    tpu.wait_dma2 semaphore(%arg6 : memref<!tpu.dma_semaphore, #tpu.memory_space<semaphore_mem>>) src(%dma_wait3A_314 : memref<32x1024xf32, #tpu.memory_space<vmem>>) dst(%dma_wait3A_310 : memref<32x1024xf32, #tpu.memory_space<hbm>>)
    %dma_wait3A_315 = arith.constant 1 : i32
    %dma_wait3A_316 = arith.constant 2 : i32
    %dma_wait3A_317 = arith.constant 0 : i32
    %dma_wait3A_318 = arith.constant 0 : i32
    %dma_wait3A_319 = tpu.memref_slice %arg4[%dma_wait3A_315, %dma_wait3A_317, %dma_wait3A_318] : memref<2x32x1024xf32, #tpu.memory_space<vmem>> -> memref<1x32x1024xf32, #tpu.memory_space<vmem>>
    %dma_wait3A_320 = tpu.memref_squeeze %dma_wait3A_319 : memref<1x32x1024xf32, #tpu.memory_space<vmem>> -> memref<32x1024xf32, #tpu.memory_space<vmem>>
    %dma_wait3A_321 = arith.constant 0 : i32
    %dma_wait3A_322 = tpu.memref_slice %arg3[%dma_wait3A_316, %add3A_218, %dma_wait3A_321] : memref<4x4096x1024xf32, #tpu.memory_space<hbm>> -> memref<1x32x1024xf32, #tpu.memory_space<hbm>>
    %dma_wait3A_323 = tpu.memref_squeeze %dma_wait3A_322 : memref<1x32x1024xf32, #tpu.memory_space<hbm>> -> memref<32x1024xf32, #tpu.memory_space<hbm>>
    %dma_wait3A_324 = arith.constant 0 : i32
    %dma_wait3A_325 = tpu.memref_slice %arg3[%dma_wait3A_316, %add3A_218, %dma_wait3A_324] : memref<4x4096x1024xf32, #tpu.memory_space<hbm>> -> memref<1x32x1024xf32, #tpu.memory_space<hbm>>
    %dma_wait3A_326 = tpu.memref_squeeze %dma_wait3A_325 : memref<1x32x1024xf32, #tpu.memory_space<hbm>> -> memref<32x1024xf32, #tpu.memory_space<hbm>>
    %dma_wait3A_327 = arith.constant 0 : i32
    %dma_wait3A_328 = arith.constant 0 : i32
    %dma_wait3A_329 = tpu.memref_slice %arg4[%dma_wait3A_315, %dma_wait3A_327, %dma_wait3A_328] : memref<2x32x1024xf32, #tpu.memory_space<vmem>> -> memref<1x32x1024xf32, #tpu.memory_space<vmem>>
    %dma_wait3A_330 = tpu.memref_squeeze %dma_wait3A_329 : memref<1x32x1024xf32, #tpu.memory_space<vmem>> -> memref<32x1024xf32, #tpu.memory_space<vmem>>
    tpu.wait_dma2 semaphore(%arg6 : memref<!tpu.dma_semaphore, #tpu.memory_space<semaphore_mem>>) src(%dma_wait3A_330 : memref<32x1024xf32, #tpu.memory_space<vmem>>) dst(%dma_wait3A_326 : memref<32x1024xf32, #tpu.memory_space<hbm>>)
    %dma_wait3A_331 = arith.constant 1 : i32
    %dma_wait3A_332 = arith.constant 3 : i32
    %dma_wait3A_333 = arith.constant 0 : i32
    %dma_wait3A_334 = arith.constant 0 : i32
    %dma_wait3A_335 = tpu.memref_slice %arg4[%dma_wait3A_331, %dma_wait3A_333, %dma_wait3A_334] : memref<2x32x1024xf32, #tpu.memory_space<vmem>> -> memref<1x32x1024xf32, #tpu.memory_space<vmem>>
    %dma_wait3A_336 = tpu.memref_squeeze %dma_wait3A_335 : memref<1x32x1024xf32, #tpu.memory_space<vmem>> -> memref<32x1024xf32, #tpu.memory_space<vmem>>
    %dma_wait3A_337 = arith.constant 0 : i32
    %dma_wait3A_338 = tpu.memref_slice %arg3[%dma_wait3A_332, %add3A_218, %dma_wait3A_337] : memref<4x4096x1024xf32, #tpu.memory_space<hbm>> -> memref<1x32x1024xf32, #tpu.memory_space<hbm>>
    %dma_wait3A_339 = tpu.memref_squeeze %dma_wait3A_338 : memref<1x32x1024xf32, #tpu.memory_space<hbm>> -> memref<32x1024xf32, #tpu.memory_space<hbm>>
    %dma_wait3A_340 = arith.constant 0 : i32
    %dma_wait3A_341 = tpu.memref_slice %arg3[%dma_wait3A_332, %add3A_218, %dma_wait3A_340] : memref<4x4096x1024xf32, #tpu.memory_space<hbm>> -> memref<1x32x1024xf32, #tpu.memory_space<hbm>>
    %dma_wait3A_342 = tpu.memref_squeeze %dma_wait3A_341 : memref<1x32x1024xf32, #tpu.memory_space<hbm>> -> memref<32x1024xf32, #tpu.memory_space<hbm>>
    %dma_wait3A_343 = arith.constant 0 : i32
    %dma_wait3A_344 = arith.constant 0 : i32
    %dma_wait3A_345 = tpu.memref_slice %arg4[%dma_wait3A_331, %dma_wait3A_343, %dma_wait3A_344] : memref<2x32x1024xf32, #tpu.memory_space<vmem>> -> memref<1x32x1024xf32, #tpu.memory_space<vmem>>
    %dma_wait3A_346 = tpu.memref_squeeze %dma_wait3A_345 : memref<1x32x1024xf32, #tpu.memory_space<vmem>> -> memref<32x1024xf32, #tpu.memory_space<vmem>>
    tpu.wait_dma2 semaphore(%arg6 : memref<!tpu.dma_semaphore, #tpu.memory_space<semaphore_mem>>) src(%dma_wait3A_346 : memref<32x1024xf32, #tpu.memory_space<vmem>>) dst(%dma_wait3A_342 : memref<32x1024xf32, #tpu.memory_space<hbm>>)
    %add3A_347 = arith.constant 96 : i32
    %add3A_348 = arith.addi %mul3A_2, %add3A_347 : i32
    %dma_start3A_349 = arith.constant 1 : i32
    %dma_start3A_350 = arith.constant 1 : i32
    %dma_start3A_351 = arith.constant 0 : i32
    %dma_start3A_352 = arith.constant 0 : i32
    %dma_start3A_353 = tpu.memref_slice %arg4[%dma_start3A_349, %dma_start3A_351, %dma_start3A_352] : memref<2x32x1024xf32, #tpu.memory_space<vmem>> -> memref<1x32x1024xf32, #tpu.memory_space<vmem>>
    %dma_start3A_354 = tpu.memref_squeeze %dma_start3A_353 : memref<1x32x1024xf32, #tpu.memory_space<vmem>> -> memref<32x1024xf32, #tpu.memory_space<vmem>>
    %dma_start3A_355 = arith.constant 0 : i32
    %dma_start3A_356 = tpu.memref_slice %arg2[%add3A_348, %dma_start3A_355] : memref<8192x1024xf32, #tpu.memory_space<hbm>> -> memref<32x1024xf32, #tpu.memory_space<hbm>>
    %dma_start3A_357 = tpu.memref_slice %arg5[%dma_start3A_350] : memref<2x!tpu.dma_semaphore, #tpu.memory_space<semaphore_mem>> -> memref<1x!tpu.dma_semaphore, #tpu.memory_space<semaphore_mem>>
    %dma_start3A_358 = tpu.memref_squeeze %dma_start3A_357 : memref<1x!tpu.dma_semaphore, #tpu.memory_space<semaphore_mem>> -> memref<!tpu.dma_semaphore, #tpu.memory_space<semaphore_mem>>
    %dma_start3A_359 = arith.constant 0 : i32
    %dma_start3A_360 = arith.constant 0 : i32
    %dma_start3A_361 = tpu.memref_slice %arg4[%dma_start3A_349, %dma_start3A_359, %dma_start3A_360] : memref<2x32x1024xf32, #tpu.memory_space<vmem>> -> memref<1x32x1024xf32, #tpu.memory_space<vmem>>
    %dma_start3A_362 = tpu.memref_squeeze %dma_start3A_361 : memref<1x32x1024xf32, #tpu.memory_space<vmem>> -> memref<32x1024xf32, #tpu.memory_space<vmem>>
    %dma_start3A_363 = arith.constant 0 : i32
    %dma_start3A_364 = tpu.memref_slice %arg2[%add3A_348, %dma_start3A_363] : memref<8192x1024xf32, #tpu.memory_space<hbm>> -> memref<32x1024xf32, #tpu.memory_space<hbm>>
    tpu.enqueue_dma source(%dma_start3A_364 : memref<32x1024xf32, #tpu.memory_space<hbm>>) target(%dma_start3A_362 : memref<32x1024xf32, #tpu.memory_space<vmem>>) target_semaphore(%dma_start3A_358 : memref<!tpu.dma_semaphore, #tpu.memory_space<semaphore_mem>>)
    %dma_wait3A_365 = arith.constant 0 : i32
    %dma_wait3A_366 = arith.constant 0 : i32
    %dma_wait3A_367 = arith.constant 0 : i32
    %dma_wait3A_368 = arith.constant 0 : i32
    %dma_wait3A_369 = tpu.memref_slice %arg4[%dma_wait3A_365, %dma_wait3A_367, %dma_wait3A_368] : memref<2x32x1024xf32, #tpu.memory_space<vmem>> -> memref<1x32x1024xf32, #tpu.memory_space<vmem>>
    %dma_wait3A_370 = tpu.memref_squeeze %dma_wait3A_369 : memref<1x32x1024xf32, #tpu.memory_space<vmem>> -> memref<32x1024xf32, #tpu.memory_space<vmem>>
    %dma_wait3A_371 = arith.constant 0 : i32
    %dma_wait3A_372 = tpu.memref_slice %arg2[%add3A_184, %dma_wait3A_371] : memref<8192x1024xf32, #tpu.memory_space<hbm>> -> memref<32x1024xf32, #tpu.memory_space<hbm>>
    %dma_wait3A_373 = tpu.memref_slice %arg5[%dma_wait3A_366] : memref<2x!tpu.dma_semaphore, #tpu.memory_space<semaphore_mem>> -> memref<1x!tpu.dma_semaphore, #tpu.memory_space<semaphore_mem>>
    %dma_wait3A_374 = tpu.memref_squeeze %dma_wait3A_373 : memref<1x!tpu.dma_semaphore, #tpu.memory_space<semaphore_mem>> -> memref<!tpu.dma_semaphore, #tpu.memory_space<semaphore_mem>>
    %dma_wait3A_375 = arith.constant 0 : i32
    %dma_wait3A_376 = arith.constant 0 : i32
    %dma_wait3A_377 = tpu.memref_slice %arg4[%dma_wait3A_365, %dma_wait3A_375, %dma_wait3A_376] : memref<2x32x1024xf32, #tpu.memory_space<vmem>> -> memref<1x32x1024xf32, #tpu.memory_space<vmem>>
    %dma_wait3A_378 = tpu.memref_squeeze %dma_wait3A_377 : memref<1x32x1024xf32, #tpu.memory_space<vmem>> -> memref<32x1024xf32, #tpu.memory_space<vmem>>
    %dma_wait3A_379 = arith.constant 0 : i32
    %dma_wait3A_380 = tpu.memref_slice %arg2[%add3A_184, %dma_wait3A_379] : memref<8192x1024xf32, #tpu.memory_space<hbm>> -> memref<32x1024xf32, #tpu.memory_space<hbm>>
    tpu.wait_dma2 semaphore(%dma_wait3A_374 : memref<!tpu.dma_semaphore, #tpu.memory_space<semaphore_mem>>) src(%dma_wait3A_380 : memref<32x1024xf32, #tpu.memory_space<hbm>>) dst(%dma_wait3A_378 : memref<32x1024xf32, #tpu.memory_space<vmem>>)
    %add3A_381 = arith.constant 64 : i32
    %add3A_382 = arith.addi %mul3A_2, %add3A_381 : i32
    %dma_start3A_383 = arith.constant 0 : i32
    %dma_start3A_384 = arith.constant 0 : i32
    %dma_start3A_385 = arith.constant 0 : i32
    %dma_start3A_386 = arith.constant 0 : i32
    %dma_start3A_387 = tpu.memref_slice %arg4[%dma_start3A_383, %dma_start3A_385, %dma_start3A_386] : memref<2x32x1024xf32, #tpu.memory_space<vmem>> -> memref<1x32x1024xf32, #tpu.memory_space<vmem>>
    %dma_start3A_388 = tpu.memref_squeeze %dma_start3A_387 : memref<1x32x1024xf32, #tpu.memory_space<vmem>> -> memref<32x1024xf32, #tpu.memory_space<vmem>>
    %dma_start3A_389 = arith.constant 0 : i32
    %dma_start3A_390 = tpu.memref_slice %arg3[%dma_start3A_384, %add3A_382, %dma_start3A_389] : memref<4x4096x1024xf32, #tpu.memory_space<hbm>> -> memref<1x32x1024xf32, #tpu.memory_space<hbm>>
    %dma_start3A_391 = tpu.memref_squeeze %dma_start3A_390 : memref<1x32x1024xf32, #tpu.memory_space<hbm>> -> memref<32x1024xf32, #tpu.memory_space<hbm>>
    %dma_start3A_392 = arith.constant 0 : i32
    %dma_start3A_393 = tpu.memref_slice %arg3[%dma_start3A_384, %add3A_382, %dma_start3A_392] : memref<4x4096x1024xf32, #tpu.memory_space<hbm>> -> memref<1x32x1024xf32, #tpu.memory_space<hbm>>
    %dma_start3A_394 = tpu.memref_squeeze %dma_start3A_393 : memref<1x32x1024xf32, #tpu.memory_space<hbm>> -> memref<32x1024xf32, #tpu.memory_space<hbm>>
    %dma_start3A_395 = arith.constant 0 : i32
    %dma_start3A_396 = arith.constant 0 : i32
    %dma_start3A_397 = tpu.memref_slice %arg4[%dma_start3A_383, %dma_start3A_395, %dma_start3A_396] : memref<2x32x1024xf32, #tpu.memory_space<vmem>> -> memref<1x32x1024xf32, #tpu.memory_space<vmem>>
    %dma_start3A_398 = tpu.memref_squeeze %dma_start3A_397 : memref<1x32x1024xf32, #tpu.memory_space<vmem>> -> memref<32x1024xf32, #tpu.memory_space<vmem>>
    tpu.enqueue_dma source(%dma_start3A_398 : memref<32x1024xf32, #tpu.memory_space<vmem>>) target(%dma_start3A_394 : memref<32x1024xf32, #tpu.memory_space<hbm>>) target_semaphore(%arg6 : memref<!tpu.dma_semaphore, #tpu.memory_space<semaphore_mem>>)
    %dma_start3A_399 = arith.constant 0 : i32
    %dma_start3A_400 = arith.constant 1 : i32
    %dma_start3A_401 = arith.constant 0 : i32
    %dma_start3A_402 = arith.constant 0 : i32
    %dma_start3A_403 = tpu.memref_slice %arg4[%dma_start3A_399, %dma_start3A_401, %dma_start3A_402] : memref<2x32x1024xf32, #tpu.memory_space<vmem>> -> memref<1x32x1024xf32, #tpu.memory_space<vmem>>
    %dma_start3A_404 = tpu.memref_squeeze %dma_start3A_403 : memref<1x32x1024xf32, #tpu.memory_space<vmem>> -> memref<32x1024xf32, #tpu.memory_space<vmem>>
    %dma_start3A_405 = arith.constant 0 : i32
    %dma_start3A_406 = tpu.memref_slice %arg3[%dma_start3A_400, %add3A_382, %dma_start3A_405] : memref<4x4096x1024xf32, #tpu.memory_space<hbm>> -> memref<1x32x1024xf32, #tpu.memory_space<hbm>>
    %dma_start3A_407 = tpu.memref_squeeze %dma_start3A_406 : memref<1x32x1024xf32, #tpu.memory_space<hbm>> -> memref<32x1024xf32, #tpu.memory_space<hbm>>
    %dma_start3A_408 = arith.constant 0 : i32
    %dma_start3A_409 = tpu.memref_slice %arg3[%dma_start3A_400, %add3A_382, %dma_start3A_408] : memref<4x4096x1024xf32, #tpu.memory_space<hbm>> -> memref<1x32x1024xf32, #tpu.memory_space<hbm>>
    %dma_start3A_410 = tpu.memref_squeeze %dma_start3A_409 : memref<1x32x1024xf32, #tpu.memory_space<hbm>> -> memref<32x1024xf32, #tpu.memory_space<hbm>>
    %dma_start3A_411 = arith.constant 0 : i32
    %dma_start3A_412 = arith.constant 0 : i32
    %dma_start3A_413 = tpu.memref_slice %arg4[%dma_start3A_399, %dma_start3A_411, %dma_start3A_412] : memref<2x32x1024xf32, #tpu.memory_space<vmem>> -> memref<1x32x1024xf32, #tpu.memory_space<vmem>>
    %dma_start3A_414 = tpu.memref_squeeze %dma_start3A_413 : memref<1x32x1024xf32, #tpu.memory_space<vmem>> -> memref<32x1024xf32, #tpu.memory_space<vmem>>
    tpu.enqueue_dma source(%dma_start3A_414 : memref<32x1024xf32, #tpu.memory_space<vmem>>) target(%dma_start3A_410 : memref<32x1024xf32, #tpu.memory_space<hbm>>) target_semaphore(%arg6 : memref<!tpu.dma_semaphore, #tpu.memory_space<semaphore_mem>>)
    %dma_start3A_415 = arith.constant 0 : i32
    %dma_start3A_416 = arith.constant 2 : i32
    %dma_start3A_417 = arith.constant 0 : i32
    %dma_start3A_418 = arith.constant 0 : i32
    %dma_start3A_419 = tpu.memref_slice %arg4[%dma_start3A_415, %dma_start3A_417, %dma_start3A_418] : memref<2x32x1024xf32, #tpu.memory_space<vmem>> -> memref<1x32x1024xf32, #tpu.memory_space<vmem>>
    %dma_start3A_420 = tpu.memref_squeeze %dma_start3A_419 : memref<1x32x1024xf32, #tpu.memory_space<vmem>> -> memref<32x1024xf32, #tpu.memory_space<vmem>>
    %dma_start3A_421 = arith.constant 0 : i32
    %dma_start3A_422 = tpu.memref_slice %arg3[%dma_start3A_416, %add3A_382, %dma_start3A_421] : memref<4x4096x1024xf32, #tpu.memory_space<hbm>> -> memref<1x32x1024xf32, #tpu.memory_space<hbm>>
    %dma_start3A_423 = tpu.memref_squeeze %dma_start3A_422 : memref<1x32x1024xf32, #tpu.memory_space<hbm>> -> memref<32x1024xf32, #tpu.memory_space<hbm>>
    %dma_start3A_424 = arith.constant 0 : i32
    %dma_start3A_425 = tpu.memref_slice %arg3[%dma_start3A_416, %add3A_382, %dma_start3A_424] : memref<4x4096x1024xf32, #tpu.memory_space<hbm>> -> memref<1x32x1024xf32, #tpu.memory_space<hbm>>
    %dma_start3A_426 = tpu.memref_squeeze %dma_start3A_425 : memref<1x32x1024xf32, #tpu.memory_space<hbm>> -> memref<32x1024xf32, #tpu.memory_space<hbm>>
    %dma_start3A_427 = arith.constant 0 : i32
    %dma_start3A_428 = arith.constant 0 : i32
    %dma_start3A_429 = tpu.memref_slice %arg4[%dma_start3A_415, %dma_start3A_427, %dma_start3A_428] : memref<2x32x1024xf32, #tpu.memory_space<vmem>> -> memref<1x32x1024xf32, #tpu.memory_space<vmem>>
    %dma_start3A_430 = tpu.memref_squeeze %dma_start3A_429 : memref<1x32x1024xf32, #tpu.memory_space<vmem>> -> memref<32x1024xf32, #tpu.memory_space<vmem>>
    tpu.enqueue_dma source(%dma_start3A_430 : memref<32x1024xf32, #tpu.memory_space<vmem>>) target(%dma_start3A_426 : memref<32x1024xf32, #tpu.memory_space<hbm>>) target_semaphore(%arg6 : memref<!tpu.dma_semaphore, #tpu.memory_space<semaphore_mem>>)
    %dma_start3A_431 = arith.constant 0 : i32
    %dma_start3A_432 = arith.constant 3 : i32
    %dma_start3A_433 = arith.constant 0 : i32
    %dma_start3A_434 = arith.constant 0 : i32
    %dma_start3A_435 = tpu.memref_slice %arg4[%dma_start3A_431, %dma_start3A_433, %dma_start3A_434] : memref<2x32x1024xf32, #tpu.memory_space<vmem>> -> memref<1x32x1024xf32, #tpu.memory_space<vmem>>
    %dma_start3A_436 = tpu.memref_squeeze %dma_start3A_435 : memref<1x32x1024xf32, #tpu.memory_space<vmem>> -> memref<32x1024xf32, #tpu.memory_space<vmem>>
    %dma_start3A_437 = arith.constant 0 : i32
    %dma_start3A_438 = tpu.memref_slice %arg3[%dma_start3A_432, %add3A_382, %dma_start3A_437] : memref<4x4096x1024xf32, #tpu.memory_space<hbm>> -> memref<1x32x1024xf32, #tpu.memory_space<hbm>>
    %dma_start3A_439 = tpu.memref_squeeze %dma_start3A_438 : memref<1x32x1024xf32, #tpu.memory_space<hbm>> -> memref<32x1024xf32, #tpu.memory_space<hbm>>
    %dma_start3A_440 = arith.constant 0 : i32
    %dma_start3A_441 = tpu.memref_slice %arg3[%dma_start3A_432, %add3A_382, %dma_start3A_440] : memref<4x4096x1024xf32, #tpu.memory_space<hbm>> -> memref<1x32x1024xf32, #tpu.memory_space<hbm>>
    %dma_start3A_442 = tpu.memref_squeeze %dma_start3A_441 : memref<1x32x1024xf32, #tpu.memory_space<hbm>> -> memref<32x1024xf32, #tpu.memory_space<hbm>>
    %dma_start3A_443 = arith.constant 0 : i32
    %dma_start3A_444 = arith.constant 0 : i32
    %dma_start3A_445 = tpu.memref_slice %arg4[%dma_start3A_431, %dma_start3A_443, %dma_start3A_444] : memref<2x32x1024xf32, #tpu.memory_space<vmem>> -> memref<1x32x1024xf32, #tpu.memory_space<vmem>>
    %dma_start3A_446 = tpu.memref_squeeze %dma_start3A_445 : memref<1x32x1024xf32, #tpu.memory_space<vmem>> -> memref<32x1024xf32, #tpu.memory_space<vmem>>
    tpu.enqueue_dma source(%dma_start3A_446 : memref<32x1024xf32, #tpu.memory_space<vmem>>) target(%dma_start3A_442 : memref<32x1024xf32, #tpu.memory_space<hbm>>) target_semaphore(%arg6 : memref<!tpu.dma_semaphore, #tpu.memory_space<semaphore_mem>>)
    %dma_wait3A_447 = arith.constant 1 : i32
    %dma_wait3A_448 = arith.constant 1 : i32
    %dma_wait3A_449 = arith.constant 0 : i32
    %dma_wait3A_450 = arith.constant 0 : i32
    %dma_wait3A_451 = tpu.memref_slice %arg4[%dma_wait3A_447, %dma_wait3A_449, %dma_wait3A_450] : memref<2x32x1024xf32, #tpu.memory_space<vmem>> -> memref<1x32x1024xf32, #tpu.memory_space<vmem>>
    %dma_wait3A_452 = tpu.memref_squeeze %dma_wait3A_451 : memref<1x32x1024xf32, #tpu.memory_space<vmem>> -> memref<32x1024xf32, #tpu.memory_space<vmem>>
    %dma_wait3A_453 = arith.constant 0 : i32
    %dma_wait3A_454 = tpu.memref_slice %arg2[%add3A_348, %dma_wait3A_453] : memref<8192x1024xf32, #tpu.memory_space<hbm>> -> memref<32x1024xf32, #tpu.memory_space<hbm>>
    %dma_wait3A_455 = tpu.memref_slice %arg5[%dma_wait3A_448] : memref<2x!tpu.dma_semaphore, #tpu.memory_space<semaphore_mem>> -> memref<1x!tpu.dma_semaphore, #tpu.memory_space<semaphore_mem>>
    %dma_wait3A_456 = tpu.memref_squeeze %dma_wait3A_455 : memref<1x!tpu.dma_semaphore, #tpu.memory_space<semaphore_mem>> -> memref<!tpu.dma_semaphore, #tpu.memory_space<semaphore_mem>>
    %dma_wait3A_457 = arith.constant 0 : i32
    %dma_wait3A_458 = arith.constant 0 : i32
    %dma_wait3A_459 = tpu.memref_slice %arg4[%dma_wait3A_447, %dma_wait3A_457, %dma_wait3A_458] : memref<2x32x1024xf32, #tpu.memory_space<vmem>> -> memref<1x32x1024xf32, #tpu.memory_space<vmem>>
    %dma_wait3A_460 = tpu.memref_squeeze %dma_wait3A_459 : memref<1x32x1024xf32, #tpu.memory_space<vmem>> -> memref<32x1024xf32, #tpu.memory_space<vmem>>
    %dma_wait3A_461 = arith.constant 0 : i32
    %dma_wait3A_462 = tpu.memref_slice %arg2[%add3A_348, %dma_wait3A_461] : memref<8192x1024xf32, #tpu.memory_space<hbm>> -> memref<32x1024xf32, #tpu.memory_space<hbm>>
    tpu.wait_dma2 semaphore(%dma_wait3A_456 : memref<!tpu.dma_semaphore, #tpu.memory_space<semaphore_mem>>) src(%dma_wait3A_462 : memref<32x1024xf32, #tpu.memory_space<hbm>>) dst(%dma_wait3A_460 : memref<32x1024xf32, #tpu.memory_space<vmem>>)
    %add3A_463 = arith.constant 96 : i32
    %add3A_464 = arith.addi %mul3A_2, %add3A_463 : i32
    %dma_start3A_465 = arith.constant 1 : i32
    %dma_start3A_466 = arith.constant 0 : i32
    %dma_start3A_467 = arith.constant 0 : i32
    %dma_start3A_468 = arith.constant 0 : i32
    %dma_start3A_469 = tpu.memref_slice %arg4[%dma_start3A_465, %dma_start3A_467, %dma_start3A_468] : memref<2x32x1024xf32, #tpu.memory_space<vmem>> -> memref<1x32x1024xf32, #tpu.memory_space<vmem>>
    %dma_start3A_470 = tpu.memref_squeeze %dma_start3A_469 : memref<1x32x1024xf32, #tpu.memory_space<vmem>> -> memref<32x1024xf32, #tpu.memory_space<vmem>>
    %dma_start3A_471 = arith.constant 0 : i32
    %dma_start3A_472 = tpu.memref_slice %arg3[%dma_start3A_466, %add3A_464, %dma_start3A_471] : memref<4x4096x1024xf32, #tpu.memory_space<hbm>> -> memref<1x32x1024xf32, #tpu.memory_space<hbm>>
    %dma_start3A_473 = tpu.memref_squeeze %dma_start3A_472 : memref<1x32x1024xf32, #tpu.memory_space<hbm>> -> memref<32x1024xf32, #tpu.memory_space<hbm>>
    %dma_start3A_474 = arith.constant 0 : i32
    %dma_start3A_475 = tpu.memref_slice %arg3[%dma_start3A_466, %add3A_464, %dma_start3A_474] : memref<4x4096x1024xf32, #tpu.memory_space<hbm>> -> memref<1x32x1024xf32, #tpu.memory_space<hbm>>
    %dma_start3A_476 = tpu.memref_squeeze %dma_start3A_475 : memref<1x32x1024xf32, #tpu.memory_space<hbm>> -> memref<32x1024xf32, #tpu.memory_space<hbm>>
    %dma_start3A_477 = arith.constant 0 : i32
    %dma_start3A_478 = arith.constant 0 : i32
    %dma_start3A_479 = tpu.memref_slice %arg4[%dma_start3A_465, %dma_start3A_477, %dma_start3A_478] : memref<2x32x1024xf32, #tpu.memory_space<vmem>> -> memref<1x32x1024xf32, #tpu.memory_space<vmem>>
    %dma_start3A_480 = tpu.memref_squeeze %dma_start3A_479 : memref<1x32x1024xf32, #tpu.memory_space<vmem>> -> memref<32x1024xf32, #tpu.memory_space<vmem>>
    tpu.enqueue_dma source(%dma_start3A_480 : memref<32x1024xf32, #tpu.memory_space<vmem>>) target(%dma_start3A_476 : memref<32x1024xf32, #tpu.memory_space<hbm>>) target_semaphore(%arg6 : memref<!tpu.dma_semaphore, #tpu.memory_space<semaphore_mem>>)
    %dma_start3A_481 = arith.constant 1 : i32
    %dma_start3A_482 = arith.constant 1 : i32
    %dma_start3A_483 = arith.constant 0 : i32
    %dma_start3A_484 = arith.constant 0 : i32
    %dma_start3A_485 = tpu.memref_slice %arg4[%dma_start3A_481, %dma_start3A_483, %dma_start3A_484] : memref<2x32x1024xf32, #tpu.memory_space<vmem>> -> memref<1x32x1024xf32, #tpu.memory_space<vmem>>
    %dma_start3A_486 = tpu.memref_squeeze %dma_start3A_485 : memref<1x32x1024xf32, #tpu.memory_space<vmem>> -> memref<32x1024xf32, #tpu.memory_space<vmem>>
    %dma_start3A_487 = arith.constant 0 : i32
    %dma_start3A_488 = tpu.memref_slice %arg3[%dma_start3A_482, %add3A_464, %dma_start3A_487] : memref<4x4096x1024xf32, #tpu.memory_space<hbm>> -> memref<1x32x1024xf32, #tpu.memory_space<hbm>>
    %dma_start3A_489 = tpu.memref_squeeze %dma_start3A_488 : memref<1x32x1024xf32, #tpu.memory_space<hbm>> -> memref<32x1024xf32, #tpu.memory_space<hbm>>
    %dma_start3A_490 = arith.constant 0 : i32
    %dma_start3A_491 = tpu.memref_slice %arg3[%dma_start3A_482, %add3A_464, %dma_start3A_490] : memref<4x4096x1024xf32, #tpu.memory_space<hbm>> -> memref<1x32x1024xf32, #tpu.memory_space<hbm>>
    %dma_start3A_492 = tpu.memref_squeeze %dma_start3A_491 : memref<1x32x1024xf32, #tpu.memory_space<hbm>> -> memref<32x1024xf32, #tpu.memory_space<hbm>>
    %dma_start3A_493 = arith.constant 0 : i32
    %dma_start3A_494 = arith.constant 0 : i32
    %dma_start3A_495 = tpu.memref_slice %arg4[%dma_start3A_481, %dma_start3A_493, %dma_start3A_494] : memref<2x32x1024xf32, #tpu.memory_space<vmem>> -> memref<1x32x1024xf32, #tpu.memory_space<vmem>>
    %dma_start3A_496 = tpu.memref_squeeze %dma_start3A_495 : memref<1x32x1024xf32, #tpu.memory_space<vmem>> -> memref<32x1024xf32, #tpu.memory_space<vmem>>
    tpu.enqueue_dma source(%dma_start3A_496 : memref<32x1024xf32, #tpu.memory_space<vmem>>) target(%dma_start3A_492 : memref<32x1024xf32, #tpu.memory_space<hbm>>) target_semaphore(%arg6 : memref<!tpu.dma_semaphore, #tpu.memory_space<semaphore_mem>>)
    %dma_start3A_497 = arith.constant 1 : i32
    %dma_start3A_498 = arith.constant 2 : i32
    %dma_start3A_499 = arith.constant 0 : i32
    %dma_start3A_500 = arith.constant 0 : i32
    %dma_start3A_501 = tpu.memref_slice %arg4[%dma_start3A_497, %dma_start3A_499, %dma_start3A_500] : memref<2x32x1024xf32, #tpu.memory_space<vmem>> -> memref<1x32x1024xf32, #tpu.memory_space<vmem>>
    %dma_start3A_502 = tpu.memref_squeeze %dma_start3A_501 : memref<1x32x1024xf32, #tpu.memory_space<vmem>> -> memref<32x1024xf32, #tpu.memory_space<vmem>>
    %dma_start3A_503 = arith.constant 0 : i32
    %dma_start3A_504 = tpu.memref_slice %arg3[%dma_start3A_498, %add3A_464, %dma_start3A_503] : memref<4x4096x1024xf32, #tpu.memory_space<hbm>> -> memref<1x32x1024xf32, #tpu.memory_space<hbm>>
    %dma_start3A_505 = tpu.memref_squeeze %dma_start3A_504 : memref<1x32x1024xf32, #tpu.memory_space<hbm>> -> memref<32x1024xf32, #tpu.memory_space<hbm>>
    %dma_start3A_506 = arith.constant 0 : i32
    %dma_start3A_507 = tpu.memref_slice %arg3[%dma_start3A_498, %add3A_464, %dma_start3A_506] : memref<4x4096x1024xf32, #tpu.memory_space<hbm>> -> memref<1x32x1024xf32, #tpu.memory_space<hbm>>
    %dma_start3A_508 = tpu.memref_squeeze %dma_start3A_507 : memref<1x32x1024xf32, #tpu.memory_space<hbm>> -> memref<32x1024xf32, #tpu.memory_space<hbm>>
    %dma_start3A_509 = arith.constant 0 : i32
    %dma_start3A_510 = arith.constant 0 : i32
    %dma_start3A_511 = tpu.memref_slice %arg4[%dma_start3A_497, %dma_start3A_509, %dma_start3A_510] : memref<2x32x1024xf32, #tpu.memory_space<vmem>> -> memref<1x32x1024xf32, #tpu.memory_space<vmem>>
    %dma_start3A_512 = tpu.memref_squeeze %dma_start3A_511 : memref<1x32x1024xf32, #tpu.memory_space<vmem>> -> memref<32x1024xf32, #tpu.memory_space<vmem>>
    tpu.enqueue_dma source(%dma_start3A_512 : memref<32x1024xf32, #tpu.memory_space<vmem>>) target(%dma_start3A_508 : memref<32x1024xf32, #tpu.memory_space<hbm>>) target_semaphore(%arg6 : memref<!tpu.dma_semaphore, #tpu.memory_space<semaphore_mem>>)
    %dma_start3A_513 = arith.constant 1 : i32
    %dma_start3A_514 = arith.constant 3 : i32
    %dma_start3A_515 = arith.constant 0 : i32
    %dma_start3A_516 = arith.constant 0 : i32
    %dma_start3A_517 = tpu.memref_slice %arg4[%dma_start3A_513, %dma_start3A_515, %dma_start3A_516] : memref<2x32x1024xf32, #tpu.memory_space<vmem>> -> memref<1x32x1024xf32, #tpu.memory_space<vmem>>
    %dma_start3A_518 = tpu.memref_squeeze %dma_start3A_517 : memref<1x32x1024xf32, #tpu.memory_space<vmem>> -> memref<32x1024xf32, #tpu.memory_space<vmem>>
    %dma_start3A_519 = arith.constant 0 : i32
    %dma_start3A_520 = tpu.memref_slice %arg3[%dma_start3A_514, %add3A_464, %dma_start3A_519] : memref<4x4096x1024xf32, #tpu.memory_space<hbm>> -> memref<1x32x1024xf32, #tpu.memory_space<hbm>>
    %dma_start3A_521 = tpu.memref_squeeze %dma_start3A_520 : memref<1x32x1024xf32, #tpu.memory_space<hbm>> -> memref<32x1024xf32, #tpu.memory_space<hbm>>
    %dma_start3A_522 = arith.constant 0 : i32
    %dma_start3A_523 = tpu.memref_slice %arg3[%dma_start3A_514, %add3A_464, %dma_start3A_522] : memref<4x4096x1024xf32, #tpu.memory_space<hbm>> -> memref<1x32x1024xf32, #tpu.memory_space<hbm>>
    %dma_start3A_524 = tpu.memref_squeeze %dma_start3A_523 : memref<1x32x1024xf32, #tpu.memory_space<hbm>> -> memref<32x1024xf32, #tpu.memory_space<hbm>>
    %dma_start3A_525 = arith.constant 0 : i32
    %dma_start3A_526 = arith.constant 0 : i32
    %dma_start3A_527 = tpu.memref_slice %arg4[%dma_start3A_513, %dma_start3A_525, %dma_start3A_526] : memref<2x32x1024xf32, #tpu.memory_space<vmem>> -> memref<1x32x1024xf32, #tpu.memory_space<vmem>>
    %dma_start3A_528 = tpu.memref_squeeze %dma_start3A_527 : memref<1x32x1024xf32, #tpu.memory_space<vmem>> -> memref<32x1024xf32, #tpu.memory_space<vmem>>
    tpu.enqueue_dma source(%dma_start3A_528 : memref<32x1024xf32, #tpu.memory_space<vmem>>) target(%dma_start3A_524 : memref<32x1024xf32, #tpu.memory_space<hbm>>) target_semaphore(%arg6 : memref<!tpu.dma_semaphore, #tpu.memory_space<semaphore_mem>>)
    %dma_wait3A_529 = arith.constant 0 : i32
    %dma_wait3A_530 = arith.constant 0 : i32
    %dma_wait3A_531 = arith.constant 0 : i32
    %dma_wait3A_532 = arith.constant 0 : i32
    %dma_wait3A_533 = tpu.memref_slice %arg4[%dma_wait3A_529, %dma_wait3A_531, %dma_wait3A_532] : memref<2x32x1024xf32, #tpu.memory_space<vmem>> -> memref<1x32x1024xf32, #tpu.memory_space<vmem>>
    %dma_wait3A_534 = tpu.memref_squeeze %dma_wait3A_533 : memref<1x32x1024xf32, #tpu.memory_space<vmem>> -> memref<32x1024xf32, #tpu.memory_space<vmem>>
    %dma_wait3A_535 = arith.constant 0 : i32
    %dma_wait3A_536 = tpu.memref_slice %arg3[%dma_wait3A_530, %add3A_382, %dma_wait3A_535] : memref<4x4096x1024xf32, #tpu.memory_space<hbm>> -> memref<1x32x1024xf32, #tpu.memory_space<hbm>>
    %dma_wait3A_537 = tpu.memref_squeeze %dma_wait3A_536 : memref<1x32x1024xf32, #tpu.memory_space<hbm>> -> memref<32x1024xf32, #tpu.memory_space<hbm>>
    %dma_wait3A_538 = arith.constant 0 : i32
    %dma_wait3A_539 = tpu.memref_slice %arg3[%dma_wait3A_530, %add3A_382, %dma_wait3A_538] : memref<4x4096x1024xf32, #tpu.memory_space<hbm>> -> memref<1x32x1024xf32, #tpu.memory_space<hbm>>
    %dma_wait3A_540 = tpu.memref_squeeze %dma_wait3A_539 : memref<1x32x1024xf32, #tpu.memory_space<hbm>> -> memref<32x1024xf32, #tpu.memory_space<hbm>>
    %dma_wait3A_541 = arith.constant 0 : i32
    %dma_wait3A_542 = arith.constant 0 : i32
    %dma_wait3A_543 = tpu.memref_slice %arg4[%dma_wait3A_529, %dma_wait3A_541, %dma_wait3A_542] : memref<2x32x1024xf32, #tpu.memory_space<vmem>> -> memref<1x32x1024xf32, #tpu.memory_space<vmem>>
    %dma_wait3A_544 = tpu.memref_squeeze %dma_wait3A_543 : memref<1x32x1024xf32, #tpu.memory_space<vmem>> -> memref<32x1024xf32, #tpu.memory_space<vmem>>
    tpu.wait_dma2 semaphore(%arg6 : memref<!tpu.dma_semaphore, #tpu.memory_space<semaphore_mem>>) src(%dma_wait3A_544 : memref<32x1024xf32, #tpu.memory_space<vmem>>) dst(%dma_wait3A_540 : memref<32x1024xf32, #tpu.memory_space<hbm>>)
    %dma_wait3A_545 = arith.constant 0 : i32
    %dma_wait3A_546 = arith.constant 1 : i32
    %dma_wait3A_547 = arith.constant 0 : i32
    %dma_wait3A_548 = arith.constant 0 : i32
    %dma_wait3A_549 = tpu.memref_slice %arg4[%dma_wait3A_545, %dma_wait3A_547, %dma_wait3A_548] : memref<2x32x1024xf32, #tpu.memory_space<vmem>> -> memref<1x32x1024xf32, #tpu.memory_space<vmem>>
    %dma_wait3A_550 = tpu.memref_squeeze %dma_wait3A_549 : memref<1x32x1024xf32, #tpu.memory_space<vmem>> -> memref<32x1024xf32, #tpu.memory_space<vmem>>
    %dma_wait3A_551 = arith.constant 0 : i32
    %dma_wait3A_552 = tpu.memref_slice %arg3[%dma_wait3A_546, %add3A_382, %dma_wait3A_551] : memref<4x4096x1024xf32, #tpu.memory_space<hbm>> -> memref<1x32x1024xf32, #tpu.memory_space<hbm>>
    %dma_wait3A_553 = tpu.memref_squeeze %dma_wait3A_552 : memref<1x32x1024xf32, #tpu.memory_space<hbm>> -> memref<32x1024xf32, #tpu.memory_space<hbm>>
    %dma_wait3A_554 = arith.constant 0 : i32
    %dma_wait3A_555 = tpu.memref_slice %arg3[%dma_wait3A_546, %add3A_382, %dma_wait3A_554] : memref<4x4096x1024xf32, #tpu.memory_space<hbm>> -> memref<1x32x1024xf32, #tpu.memory_space<hbm>>
    %dma_wait3A_556 = tpu.memref_squeeze %dma_wait3A_555 : memref<1x32x1024xf32, #tpu.memory_space<hbm>> -> memref<32x1024xf32, #tpu.memory_space<hbm>>
    %dma_wait3A_557 = arith.constant 0 : i32
    %dma_wait3A_558 = arith.constant 0 : i32
    %dma_wait3A_559 = tpu.memref_slice %arg4[%dma_wait3A_545, %dma_wait3A_557, %dma_wait3A_558] : memref<2x32x1024xf32, #tpu.memory_space<vmem>> -> memref<1x32x1024xf32, #tpu.memory_space<vmem>>
    %dma_wait3A_560 = tpu.memref_squeeze %dma_wait3A_559 : memref<1x32x1024xf32, #tpu.memory_space<vmem>> -> memref<32x1024xf32, #tpu.memory_space<vmem>>
    tpu.wait_dma2 semaphore(%arg6 : memref<!tpu.dma_semaphore, #tpu.memory_space<semaphore_mem>>) src(%dma_wait3A_560 : memref<32x1024xf32, #tpu.memory_space<vmem>>) dst(%dma_wait3A_556 : memref<32x1024xf32, #tpu.memory_space<hbm>>)
    %dma_wait3A_561 = arith.constant 0 : i32
    %dma_wait3A_562 = arith.constant 2 : i32
    %dma_wait3A_563 = arith.constant 0 : i32
    %dma_wait3A_564 = arith.constant 0 : i32
    %dma_wait3A_565 = tpu.memref_slice %arg4[%dma_wait3A_561, %dma_wait3A_563, %dma_wait3A_564] : memref<2x32x1024xf32, #tpu.memory_space<vmem>> -> memref<1x32x1024xf32, #tpu.memory_space<vmem>>
    %dma_wait3A_566 = tpu.memref_squeeze %dma_wait3A_565 : memref<1x32x1024xf32, #tpu.memory_space<vmem>> -> memref<32x1024xf32, #tpu.memory_space<vmem>>
    %dma_wait3A_567 = arith.constant 0 : i32
    %dma_wait3A_568 = tpu.memref_slice %arg3[%dma_wait3A_562, %add3A_382, %dma_wait3A_567] : memref<4x4096x1024xf32, #tpu.memory_space<hbm>> -> memref<1x32x1024xf32, #tpu.memory_space<hbm>>
    %dma_wait3A_569 = tpu.memref_squeeze %dma_wait3A_568 : memref<1x32x1024xf32, #tpu.memory_space<hbm>> -> memref<32x1024xf32, #tpu.memory_space<hbm>>
    %dma_wait3A_570 = arith.constant 0 : i32
    %dma_wait3A_571 = tpu.memref_slice %arg3[%dma_wait3A_562, %add3A_382, %dma_wait3A_570] : memref<4x4096x1024xf32, #tpu.memory_space<hbm>> -> memref<1x32x1024xf32, #tpu.memory_space<hbm>>
    %dma_wait3A_572 = tpu.memref_squeeze %dma_wait3A_571 : memref<1x32x1024xf32, #tpu.memory_space<hbm>> -> memref<32x1024xf32, #tpu.memory_space<hbm>>
    %dma_wait3A_573 = arith.constant 0 : i32
    %dma_wait3A_574 = arith.constant 0 : i32
    %dma_wait3A_575 = tpu.memref_slice %arg4[%dma_wait3A_561, %dma_wait3A_573, %dma_wait3A_574] : memref<2x32x1024xf32, #tpu.memory_space<vmem>> -> memref<1x32x1024xf32, #tpu.memory_space<vmem>>
    %dma_wait3A_576 = tpu.memref_squeeze %dma_wait3A_575 : memref<1x32x1024xf32, #tpu.memory_space<vmem>> -> memref<32x1024xf32, #tpu.memory_space<vmem>>
    tpu.wait_dma2 semaphore(%arg6 : memref<!tpu.dma_semaphore, #tpu.memory_space<semaphore_mem>>) src(%dma_wait3A_576 : memref<32x1024xf32, #tpu.memory_space<vmem>>) dst(%dma_wait3A_572 : memref<32x1024xf32, #tpu.memory_space<hbm>>)
    %dma_wait3A_577 = arith.constant 0 : i32
    %dma_wait3A_578 = arith.constant 3 : i32
    %dma_wait3A_579 = arith.constant 0 : i32
    %dma_wait3A_580 = arith.constant 0 : i32
    %dma_wait3A_581 = tpu.memref_slice %arg4[%dma_wait3A_577, %dma_wait3A_579, %dma_wait3A_580] : memref<2x32x1024xf32, #tpu.memory_space<vmem>> -> memref<1x32x1024xf32, #tpu.memory_space<vmem>>
    %dma_wait3A_582 = tpu.memref_squeeze %dma_wait3A_581 : memref<1x32x1024xf32, #tpu.memory_space<vmem>> -> memref<32x1024xf32, #tpu.memory_space<vmem>>
    %dma_wait3A_583 = arith.constant 0 : i32
    %dma_wait3A_584 = tpu.memref_slice %arg3[%dma_wait3A_578, %add3A_382, %dma_wait3A_583] : memref<4x4096x1024xf32, #tpu.memory_space<hbm>> -> memref<1x32x1024xf32, #tpu.memory_space<hbm>>
    %dma_wait3A_585 = tpu.memref_squeeze %dma_wait3A_584 : memref<1x32x1024xf32, #tpu.memory_space<hbm>> -> memref<32x1024xf32, #tpu.memory_space<hbm>>
    %dma_wait3A_586 = arith.constant 0 : i32
    %dma_wait3A_587 = tpu.memref_slice %arg3[%dma_wait3A_578, %add3A_382, %dma_wait3A_586] : memref<4x4096x1024xf32, #tpu.memory_space<hbm>> -> memref<1x32x1024xf32, #tpu.memory_space<hbm>>
    %dma_wait3A_588 = tpu.memref_squeeze %dma_wait3A_587 : memref<1x32x1024xf32, #tpu.memory_space<hbm>> -> memref<32x1024xf32, #tpu.memory_space<hbm>>
    %dma_wait3A_589 = arith.constant 0 : i32
    %dma_wait3A_590 = arith.constant 0 : i32
    %dma_wait3A_591 = tpu.memref_slice %arg4[%dma_wait3A_577, %dma_wait3A_589, %dma_wait3A_590] : memref<2x32x1024xf32, #tpu.memory_space<vmem>> -> memref<1x32x1024xf32, #tpu.memory_space<vmem>>
    %dma_wait3A_592 = tpu.memref_squeeze %dma_wait3A_591 : memref<1x32x1024xf32, #tpu.memory_space<vmem>> -> memref<32x1024xf32, #tpu.memory_space<vmem>>
    tpu.wait_dma2 semaphore(%arg6 : memref<!tpu.dma_semaphore, #tpu.memory_space<semaphore_mem>>) src(%dma_wait3A_592 : memref<32x1024xf32, #tpu.memory_space<vmem>>) dst(%dma_wait3A_588 : memref<32x1024xf32, #tpu.memory_space<hbm>>)
    %dma_wait3A_593 = arith.constant 1 : i32
    %dma_wait3A_594 = arith.constant 0 : i32
    %dma_wait3A_595 = arith.constant 0 : i32
    %dma_wait3A_596 = arith.constant 0 : i32
    %dma_wait3A_597 = tpu.memref_slice %arg4[%dma_wait3A_593, %dma_wait3A_595, %dma_wait3A_596] : memref<2x32x1024xf32, #tpu.memory_space<vmem>> -> memref<1x32x1024xf32, #tpu.memory_space<vmem>>
    %dma_wait3A_598 = tpu.memref_squeeze %dma_wait3A_597 : memref<1x32x1024xf32, #tpu.memory_space<vmem>> -> memref<32x1024xf32, #tpu.memory_space<vmem>>
    %dma_wait3A_599 = arith.constant 0 : i32
    %dma_wait3A_600 = tpu.memref_slice %arg3[%dma_wait3A_594, %add3A_464, %dma_wait3A_599] : memref<4x4096x1024xf32, #tpu.memory_space<hbm>> -> memref<1x32x1024xf32, #tpu.memory_space<hbm>>
    %dma_wait3A_601 = tpu.memref_squeeze %dma_wait3A_600 : memref<1x32x1024xf32, #tpu.memory_space<hbm>> -> memref<32x1024xf32, #tpu.memory_space<hbm>>
    %dma_wait3A_602 = arith.constant 0 : i32
    %dma_wait3A_603 = tpu.memref_slice %arg3[%dma_wait3A_594, %add3A_464, %dma_wait3A_602] : memref<4x4096x1024xf32, #tpu.memory_space<hbm>> -> memref<1x32x1024xf32, #tpu.memory_space<hbm>>
    %dma_wait3A_604 = tpu.memref_squeeze %dma_wait3A_603 : memref<1x32x1024xf32, #tpu.memory_space<hbm>> -> memref<32x1024xf32, #tpu.memory_space<hbm>>
    %dma_wait3A_605 = arith.constant 0 : i32
    %dma_wait3A_606 = arith.constant 0 : i32
    %dma_wait3A_607 = tpu.memref_slice %arg4[%dma_wait3A_593, %dma_wait3A_605, %dma_wait3A_606] : memref<2x32x1024xf32, #tpu.memory_space<vmem>> -> memref<1x32x1024xf32, #tpu.memory_space<vmem>>
    %dma_wait3A_608 = tpu.memref_squeeze %dma_wait3A_607 : memref<1x32x1024xf32, #tpu.memory_space<vmem>> -> memref<32x1024xf32, #tpu.memory_space<vmem>>
    tpu.wait_dma2 semaphore(%arg6 : memref<!tpu.dma_semaphore, #tpu.memory_space<semaphore_mem>>) src(%dma_wait3A_608 : memref<32x1024xf32, #tpu.memory_space<vmem>>) dst(%dma_wait3A_604 : memref<32x1024xf32, #tpu.memory_space<hbm>>)
    %dma_wait3A_609 = arith.constant 1 : i32
    %dma_wait3A_610 = arith.constant 1 : i32
    %dma_wait3A_611 = arith.constant 0 : i32
    %dma_wait3A_612 = arith.constant 0 : i32
    %dma_wait3A_613 = tpu.memref_slice %arg4[%dma_wait3A_609, %dma_wait3A_611, %dma_wait3A_612] : memref<2x32x1024xf32, #tpu.memory_space<vmem>> -> memref<1x32x1024xf32, #tpu.memory_space<vmem>>
    %dma_wait3A_614 = tpu.memref_squeeze %dma_wait3A_613 : memref<1x32x1024xf32, #tpu.memory_space<vmem>> -> memref<32x1024xf32, #tpu.memory_space<vmem>>
    %dma_wait3A_615 = arith.constant 0 : i32
    %dma_wait3A_616 = tpu.memref_slice %arg3[%dma_wait3A_610, %add3A_464, %dma_wait3A_615] : memref<4x4096x1024xf32, #tpu.memory_space<hbm>> -> memref<1x32x1024xf32, #tpu.memory_space<hbm>>
    %dma_wait3A_617 = tpu.memref_squeeze %dma_wait3A_616 : memref<1x32x1024xf32, #tpu.memory_space<hbm>> -> memref<32x1024xf32, #tpu.memory_space<hbm>>
    %dma_wait3A_618 = arith.constant 0 : i32
    %dma_wait3A_619 = tpu.memref_slice %arg3[%dma_wait3A_610, %add3A_464, %dma_wait3A_618] : memref<4x4096x1024xf32, #tpu.memory_space<hbm>> -> memref<1x32x1024xf32, #tpu.memory_space<hbm>>
    %dma_wait3A_620 = tpu.memref_squeeze %dma_wait3A_619 : memref<1x32x1024xf32, #tpu.memory_space<hbm>> -> memref<32x1024xf32, #tpu.memory_space<hbm>>
    %dma_wait3A_621 = arith.constant 0 : i32
    %dma_wait3A_622 = arith.constant 0 : i32
    %dma_wait3A_623 = tpu.memref_slice %arg4[%dma_wait3A_609, %dma_wait3A_621, %dma_wait3A_622] : memref<2x32x1024xf32, #tpu.memory_space<vmem>> -> memref<1x32x1024xf32, #tpu.memory_space<vmem>>
    %dma_wait3A_624 = tpu.memref_squeeze %dma_wait3A_623 : memref<1x32x1024xf32, #tpu.memory_space<vmem>> -> memref<32x1024xf32, #tpu.memory_space<vmem>>
    tpu.wait_dma2 semaphore(%arg6 : memref<!tpu.dma_semaphore, #tpu.memory_space<semaphore_mem>>) src(%dma_wait3A_624 : memref<32x1024xf32, #tpu.memory_space<vmem>>) dst(%dma_wait3A_620 : memref<32x1024xf32, #tpu.memory_space<hbm>>)
    %dma_wait3A_625 = arith.constant 1 : i32
    %dma_wait3A_626 = arith.constant 2 : i32
    %dma_wait3A_627 = arith.constant 0 : i32
    %dma_wait3A_628 = arith.constant 0 : i32
    %dma_wait3A_629 = tpu.memref_slice %arg4[%dma_wait3A_625, %dma_wait3A_627, %dma_wait3A_628] : memref<2x32x1024xf32, #tpu.memory_space<vmem>> -> memref<1x32x1024xf32, #tpu.memory_space<vmem>>
    %dma_wait3A_630 = tpu.memref_squeeze %dma_wait3A_629 : memref<1x32x1024xf32, #tpu.memory_space<vmem>> -> memref<32x1024xf32, #tpu.memory_space<vmem>>
    %dma_wait3A_631 = arith.constant 0 : i32
    %dma_wait3A_632 = tpu.memref_slice %arg3[%dma_wait3A_626, %add3A_464, %dma_wait3A_631] : memref<4x4096x1024xf32, #tpu.memory_space<hbm>> -> memref<1x32x1024xf32, #tpu.memory_space<hbm>>
    %dma_wait3A_633 = tpu.memref_squeeze %dma_wait3A_632 : memref<1x32x1024xf32, #tpu.memory_space<hbm>> -> memref<32x1024xf32, #tpu.memory_space<hbm>>
    %dma_wait3A_634 = arith.constant 0 : i32
    %dma_wait3A_635 = tpu.memref_slice %arg3[%dma_wait3A_626, %add3A_464, %dma_wait3A_634] : memref<4x4096x1024xf32, #tpu.memory_space<hbm>> -> memref<1x32x1024xf32, #tpu.memory_space<hbm>>
    %dma_wait3A_636 = tpu.memref_squeeze %dma_wait3A_635 : memref<1x32x1024xf32, #tpu.memory_space<hbm>> -> memref<32x1024xf32, #tpu.memory_space<hbm>>
    %dma_wait3A_637 = arith.constant 0 : i32
    %dma_wait3A_638 = arith.constant 0 : i32
    %dma_wait3A_639 = tpu.memref_slice %arg4[%dma_wait3A_625, %dma_wait3A_637, %dma_wait3A_638] : memref<2x32x1024xf32, #tpu.memory_space<vmem>> -> memref<1x32x1024xf32, #tpu.memory_space<vmem>>
    %dma_wait3A_640 = tpu.memref_squeeze %dma_wait3A_639 : memref<1x32x1024xf32, #tpu.memory_space<vmem>> -> memref<32x1024xf32, #tpu.memory_space<vmem>>
    tpu.wait_dma2 semaphore(%arg6 : memref<!tpu.dma_semaphore, #tpu.memory_space<semaphore_mem>>) src(%dma_wait3A_640 : memref<32x1024xf32, #tpu.memory_space<vmem>>) dst(%dma_wait3A_636 : memref<32x1024xf32, #tpu.memory_space<hbm>>)
    %dma_wait3A_641 = arith.constant 1 : i32
    %dma_wait3A_642 = arith.constant 3 : i32
    %dma_wait3A_643 = arith.constant 0 : i32
    %dma_wait3A_644 = arith.constant 0 : i32
    %dma_wait3A_645 = tpu.memref_slice %arg4[%dma_wait3A_641, %dma_wait3A_643, %dma_wait3A_644] : memref<2x32x1024xf32, #tpu.memory_space<vmem>> -> memref<1x32x1024xf32, #tpu.memory_space<vmem>>
    %dma_wait3A_646 = tpu.memref_squeeze %dma_wait3A_645 : memref<1x32x1024xf32, #tpu.memory_space<vmem>> -> memref<32x1024xf32, #tpu.memory_space<vmem>>
    %dma_wait3A_647 = arith.constant 0 : i32
    %dma_wait3A_648 = tpu.memref_slice %arg3[%dma_wait3A_642, %add3A_464, %dma_wait3A_647] : memref<4x4096x1024xf32, #tpu.memory_space<hbm>> -> memref<1x32x1024xf32, #tpu.memory_space<hbm>>
    %dma_wait3A_649 = tpu.memref_squeeze %dma_wait3A_648 : memref<1x32x1024xf32, #tpu.memory_space<hbm>> -> memref<32x1024xf32, #tpu.memory_space<hbm>>
    %dma_wait3A_650 = arith.constant 0 : i32
    %dma_wait3A_651 = tpu.memref_slice %arg3[%dma_wait3A_642, %add3A_464, %dma_wait3A_650] : memref<4x4096x1024xf32, #tpu.memory_space<hbm>> -> memref<1x32x1024xf32, #tpu.memory_space<hbm>>
    %dma_wait3A_652 = tpu.memref_squeeze %dma_wait3A_651 : memref<1x32x1024xf32, #tpu.memory_space<hbm>> -> memref<32x1024xf32, #tpu.memory_space<hbm>>
    %dma_wait3A_653 = arith.constant 0 : i32
    %dma_wait3A_654 = arith.constant 0 : i32
    %dma_wait3A_655 = tpu.memref_slice %arg4[%dma_wait3A_641, %dma_wait3A_653, %dma_wait3A_654] : memref<2x32x1024xf32, #tpu.memory_space<vmem>> -> memref<1x32x1024xf32, #tpu.memory_space<vmem>>
    %dma_wait3A_656 = tpu.memref_squeeze %dma_wait3A_655 : memref<1x32x1024xf32, #tpu.memory_space<vmem>> -> memref<32x1024xf32, #tpu.memory_space<vmem>>
    tpu.wait_dma2 semaphore(%arg6 : memref<!tpu.dma_semaphore, #tpu.memory_space<semaphore_mem>>) src(%dma_wait3A_656 : memref<32x1024xf32, #tpu.memory_space<vmem>>) dst(%dma_wait3A_652 : memref<32x1024xf32, #tpu.memory_space<hbm>>)
    return
  }
}

</mosaic_0001>

<sc_bundles>
// kernel: kernel.3.cloned.1.call-start
scs
__scs_entry_jumppad:
0x0: {  	(pc) =	sbr.rel $0x88, $3  }
0x1: {  	(tag) =	ssettag $0x0;
	lr =	simm.s32 $0x1  }
0x2: {  	[smem:$0x3FA0] =	sst lr;
	_ =	strace $0xD0000000  }
0x3: {  	_ = 	snop  }
0x4: {  	_ = 	snop  }
0x5: {  	_ = 	snop  }
0x6: {  	_ = 	snop  }
0x7: {  	_ = 	snop  }
__scs_overlays_trampoline_lowered:
0x8: {  	[smem:$0x3FAF] =	sst s0  }
0x9: {  	[smem:$0x3FB0] =	sst s1  }
0xa: {  	[smem:$0x3FB1] =	sst s2  }
0xb: {  	[smem:$0x3FB2] =	sst s3  }
0xc: {  	[smem:$0x3FB3] =	sst s4  }
0xd: {  	[smem:$0x3FB4] =	sst s5  }
0xe: {  	[smem:$0x3FB5] =	sst s6  }
0xf: {  	[smem:$0x3FB6] =	sst s7  }
0x10: {  	[smem:$0x3FB7] =	sst s8  }
0x11: {  	[smem:$0x3FB8] =	sst s9;
	s0 =	simm.s32 @!p0 $0x0  }
0x12: {  	s1 =	sld [smem:$0x3F9E];
	s0 =	simm.s32 @p0 $0x1  }
0x13: {  	[smem:$0x3FB9] =	sst s0;
	s0 =	simm.s32 @!p1 $0x0  }
0x14: {  	s2 =	sld [smem:$0x3F9D];
	s0 =	simm.s32 @p1 $0x1  }
0x15: {  	[smem:$0x3FBA] =	sst s0;
	s0 =	simm.s32 @!p2 $0x0  }
0x16: {  	s3 =	sld [smem:$0x3FDB];
	s0 =	simm.s32 @p2 $0x1  }
0x17: {  	s4 =	simm.s32 $0x1BF5;
	[smem:$0x3FBC] =	sst s0  }
0x18: {  	s0 =	sld [smem:$0x3F9F];
	_ =	swait.ge [sflag:s4], $0x0  }
0x19: {  	s7 =	sld [smem:$0x3FA0]  }
0x1a: {  	s8 =	sadd.s32 $0xFFFFE003, lr  }
0x1b: {  	s9 =	sadd.s32 $0xFFFFFEF7, lr;
	s5 =	simm.s32 $0xFFFFFFFF;
	p2 =	slt.u32 s8, $0xFFFFF086  }
0x1c: {  	p1 =	slt.u32 s9, $0xF7A;
	s5 =	simm.s32 @!p2 $0x0  }
0x1d: {  	s5 =	simm.s32 @p1 $0x1;
	p0 =	seq.s32 s7, s2  }
0x1e: {  	s7 =	smul.u32 @!p0 $0xF7A, s2;
	p2 =	seq.s32 @!p0 s5, $0x0  }
0x1f: {  	s9 =	smul.u32 $0xF7A, s1;
	s8 =	simm.s32 @!p0 $0x1BF5;
	p2 =	por !p2, p0  }
0x20: {  	[sflag:s8] =	ssyncset.s32 @!p0 $0xFFFFF086;
	s6 =	sadd.s32 @!p0 s3, s7;
	s7 =	simm.s32 @!p0 $0x108  }
0x21: {  	s3 =	sadd.s32 s3, s9;
	s6 =	sadd.s32 @!p0 $0x88, s6;
	s7 =	simm.s32 @p2 $0x1082  }
0x22: {  	[simem:s7], [sflag:s8] =	dma.local @!p0 [hbm:s6], $0xF7A  }
0x23: {  	s9 =	sor.u32 $0xD0000000, s2;
	s6 =	simm.s32 $0x108;
	_ =	swait.ge @!p0 [sflag:s8], $0x0  }
0x24: {  	s3 =	sadd.s32 $0x88, s3;
	s6 =	simm.s32 @!p1 $0x1082;
	[sflag:s4] =	ssyncset.s32 $0xFFFFF086  }
0x25: {  	[simem:s6], [sflag:s4] =	dma.local [hbm:s3], $0xF7A  }
0x26: {  	[smem:$0x3FA0] =	sst s1;
	(tag) =	ssettag s2;
	_ =	strace s9  }
0x27: {  	s1 =	sld [smem:$0x3FB0]  }
0x28: {  	s2 =	sld [smem:$0x3FB1]  }
0x29: {  	s4 =	sld [smem:$0x3FB3]  }
0x2a: {  	p0 =	seq.s32 s5, $0x0;
	s5 =	sld [smem:$0x3FB4]  }
0x2b: {  	s6 =	sld [smem:$0x3FB5]  }
0x2c: {  	s7 =	sld [smem:$0x3FB6]  }
0x2d: {  	s3 =	simm.s32 $0x108;
	s8 =	sld [smem:$0x3FB7]  }
0x2e: {  	s3 =	simm.s32 @!p0 $0x1082;
	s9 =	sld [smem:$0x3FB8]  }
0x2f: {  	lr =	sadd.s32 s0, s3;
	s0 =	sld [smem:$0x3FAF]  }
0x30: {  	s3 =	sld [smem:$0x3FB2]  }
0x31: {  	[smem:$0x3FBB] =	sst s10  }
0x32: {  	s10 =	sld [smem:$0x3FB9];
	_ =	sdelay $0x3  }
0x33: {  	p0 =	seq.s32 s10, $0x1;
	s10 =	sld [smem:$0x3FBB];
	_ =	sdelay $0x3  }
0x34: {  	[smem:$0x3FBB] =	sst s10  }
0x35: {  	s10 =	sld [smem:$0x3FBA];
	_ =	sdelay $0x3  }
0x36: {  	p1 =	seq.s32 s10, $0x1;
	s10 =	sld [smem:$0x3FBB];
	_ =	sdelay $0x3  }
0x37: {  	[smem:$0x3FBB] =	sst s10  }
0x38: {  	s10 =	sld [smem:$0x3FBC]  }
0x39: {  	_ = 	snop;
	(pc) =	sbr.ind lr, $3  }
0x3a: {  	_ = 	snop  }
0x3b: {  	_ = 	snop  }
0x3c: {  	p2 =	seq.s32 s10, $0x1;
	s10 =	sld [smem:$0x3FBB]  }
0x3d: {  	_ =	shalt  }
0x3e: {  	_ =	shalt  }
0x3f: {  	_ =	shalt  }
0x40: {  	_ =	shalt  }
0x41: {  	_ =	shalt  }
0x42: {  	_ =	shalt  }
0x43: {  	_ =	shalt  }
0x44: {  	_ =	shalt  }
0x45: {  	_ =	shalt  }
0x46: {  	_ =	shalt  }
0x47: {  	_ =	shalt  }
0x48: {  	_ =	shalt  }
0x49: {  	_ =	shalt  }
0x4a: {  	_ =	shalt  }
0x4b: {  	_ =	shalt  }
0x4c: {  	_ =	shalt  }
0x4d: {  	_ =	shalt  }
0x4e: {  	_ =	shalt  }
0x4f: {  	_ =	shalt  }
0x50: {  	_ =	shalt  }
0x51: {  	_ =	shalt  }
0x52: {  	_ =	shalt  }
0x53: {  	_ =	shalt  }
0x54: {  	_ =	shalt  }
0x55: {  	_ =	shalt  }
0x56: {  	_ =	shalt  }
0x57: {  	_ =	shalt  }
0x58: {  	_ =	shalt  }
0x59: {  	_ =	shalt  }
0x5a: {  	_ =	shalt  }
0x5b: {  	_ =	shalt  }
0x5c: {  	_ =	shalt  }
0x5d: {  	_ =	shalt  }
0x5e: {  	_ =	shalt  }
0x5f: {  	_ =	shalt  }
0x60: {  	_ =	shalt  }
0x61: {  	_ =	shalt  }
0x62: {  	_ =	shalt  }
0x63: {  	_ =	shalt  }
0x64: {  	_ =	shalt  }
0x65: {  	_ =	shalt  }
0x66: {  	_ =	shalt  }
0x67: {  	_ =	shalt  }
0x68: {  	_ =	shalt  }
0x69: {  	_ =	shalt  }
0x6a: {  	_ =	shalt  }
0x6b: {  	_ =	shalt  }
0x6c: {  	_ =	shalt  }
0x6d: {  	_ =	shalt  }
0x6e: {  	_ =	shalt  }
0x6f: {  	_ =	shalt  }
0x70: {  	_ =	shalt  }
0x71: {  	_ =	shalt  }
0x72: {  	_ =	shalt  }
0x73: {  	_ =	shalt  }
0x74: {  	_ =	shalt  }
0x75: {  	_ =	shalt  }
0x76: {  	_ =	shalt  }
0x77: {  	_ =	shalt  }
0x78: {  	_ =	shalt  }
0x79: {  	_ =	shalt  }
0x7a: {  	_ =	shalt  }
0x7b: {  	_ =	shalt  }
0x7c: {  	_ =	shalt  }
0x7d: {  	_ =	shalt  }
0x7e: {  	_ =	shalt  }
0x7f: {  	_ =	shalt  }
0x80: {  	_ =	shalt  }
0x81: {  	_ =	shalt  }
0x82: {  	_ =	shalt  }
0x83: {  	_ =	shalt  }
0x84: {  	_ =	shalt  }
0x85: {  	_ =	shalt  }
0x86: {  	_ =	shalt  }
0x87: {  	_ =	shalt  }
.Lfunc_end0:
.L_simem_size_0:
called_computation_lowered:
.L_overlay_start_0:
0x88: {  	s2 =	sld [smem:$0x3FD9]  }
0x89: {  	s3 =	sld [smem:$0x3FFE];
	_ =	sdelay $0x1  }
0x8a: {  	s1 =	srdreg.scid  }
0x8b: {  	s0 =	sand.u32 $0x1, s1  }
0x8c: {  	s18 =	sshll.u32 s0, $0xA;
	s2 =	sadd.s32 s3, s2  }
0x8d: {  	s2 =	sadd.s32 s2, s18  }
0x8e: {  	[smem:$0x3FC7] =	sst s2  }
0x8f: {  	_ = 	snop  }
0x90: {  	s2 =	sld [smem:$0x3FC9]  }
0x91: {  	s19 =	sld [smem:$0x3FD0];
	(tm) =	ssettm $0x1  }
0x92: {  	s4 =	sld [smem:$0x3FFB];
	_ =	sdelay $0x3  }
0x93: {  	_ =	strace s4  }
0x94: {  	s4 =	sld [smem:$0x3FFC];
	_ =	sdelay $0x3  }
0x95: {  	_ =	strace s4  }
0x96: {  	s4 =	sld [smem:$0x3FFD];
	_ =	sdelay $0x3  }
0x97: {  	_ =	strace s4  }
0x98: {  	_ =	strace $0x8FFFFFFF  }
0x99: {  	s20 =	sld [smem:$0x3FDB];
	_ =	sdelay $0x1  }
0x9a: {  	s5 =	simm.s32 $_scs_section_size  }
0x9b: {  	s6 =	simm.s32 $_size__tile_overlayer_lowered;
	s7 =	simm.s32 $_tile_overlayer_lowered  }
0x9c: {  	s23 =	simm.s32 $0x1BFF;
	s22 =	sshll.u32 s7, $0x1;
	s4 =	sadd.s32 s5, s20  }
0x9d: {  	s8 =	simm.s32 $0x0;
	s21 =	sshll.u32 s6, $0x1;
	s6 =	sadd.s32 s22, s4  }
0x9e: {  	[timem:s8], [sflag:s23] =	dma.local [hbm:s6], s21  }
0x9f: {  	_ =	swait.ge [sflag:s23], s21  }
0xa0: {  	s5 =	ssub.s32 $0x0, s21;
	[sflag:s23] =	ssyncset.done $0x0  }
0xa1: {  	[sflag:s23] =	ssyncadd.s32 s5;
	_ =	sdelay $0x1  }
0xa2: {  	s24 =	simm.s32 $0x1B8B  }
0xa3: {  	_ =	swait.ge [sflag:s24], $0x1  }
0xa4: {  	[sflag:s24] =	ssyncset.done $0x0  }
0xa5: {  	s25 =	simm.s32 $0x1B8E;
	[sflag:s24] =	ssyncadd.s32 $0xFFFFFFFF  }
0xa6: {  	s26 =	simm.s32 $execute0_lowered;
	[smem:$0x3FD2] =	sst s25  }
0xa7: {  	s5 =	sshll.u32 s26, $0x1;
	_ =	strace $0x80000046;
	[dreg:$0x1] =	wrdreg $0xFFFFFFFF  }
0xa8: {  	s28 =	simm.s32 $_size_execute0_lowered;
	s4 =	sadd.s32 s4, s5;
	[dreg:$0x0] =	wrdreg $0x0  }
0xa9: {  	s5 =	sshll.u32 s28, $0x1;
	[dreg:$0x2] =	wrdreg s4  }
0xaa: {  	[dreg:$0x3] =	wrdreg s5  }
0xab: {  	[dreg:$0x4] =	wrdreg $0xC0  }
0xac: {  	_ =	task [dreg:s8], $0x5FFFF  }
0xad: {  	[dreg:$0x1] =	wrdreg $0xFFFFFFFF  }
0xae: {  	[dreg:$0x0] =	wrdreg $0x60  }
0xaf: {  	[dreg:$0x2] =	wrdreg s2  }
0xb0: {  	[dreg:$0x3] =	wrdreg s19  }
0xb1: {  	[dreg:$0x4] =	wrdreg $0x9  }
0xb2: {  	_ =	task.clear_ibuf [dreg:s8], $0x5FFFF;
	_ =	strace $0x90000046  }
0xb3: {  	s29 =	simm.s32 $0x9;
	_ =	strace $0x80000048  }
0xb4: {  	_ =	swait.ge [sflag:s29], $0x1  }
0xb5: {  	[sflag:s29] =	ssyncadd.s32 $0xFFFFFFFF  }
0xb6: {  	_ =	strace $0x90000048  }
0xb7: {  	_ =	sfence  }
0xb8: {  	s30 =	sld [smem:$0x0];
	_ =	sdelay $0x2  }
0xb9: {  	s31 =	sshll.u32 s1, $0xD;
	s1 =	sshrl.u32 s1, $0x2  }
0xba: {  	s3 =	sand.u32 $0x4000, s31;
	s1 =	sadd.s32 s1, s30  }
0xbb: {  	s0 =	sor.u32 s3, s0;
	s1 =	sshll.u32 s1, $0x11  }
0xbc: {  	s0 =	sor.u32 s1, s0  }
0xbd: {  	s0 =	sadd.s32 $0x8F2B, s0  }
0xbe: {  	[sflag:s0] =	ssyncadd.remote.s32 $0x1  }
0xbf: {  	_ =	sfence.sel $0xFFFF  }
0xc0: {  	[dreg:$0x0] =	wrdreg $0xFFFFFFFF;
	(pc) =	sbr.abs _section_cstart, $3  }
0xc1: {  	[dreg:$0x1] =	wrdreg $0xFFFFFFFF  }
0xc2: {  	_ =	task.clear_ibuf [dreg:s8], $0x2FFFF;
	_ =	strace $0x9FFFFFFF  }
0xc3: {  	(tm) =	ssettm $0x7FFFFFFF  }
tec
execute0_lowered:
.L_overlay_start_1:
0x0: {  	(tag) =	ssettag $0x1  }
0x1: {  	s18 =	rddreg [dreg:$0x0]  }
0x2: {  	s23 =	rddreg [dreg:$0x1];
	s2 =	srdreg.scid  }
0x3: {  	s0 =	rddreg [dreg:$0x2];
	s1 =	stileid.u32;
	s28 =	sand.u32 $0x1, s2  }
0x4: {  	s2 =	simm.s32 $0x0;
	s3 =	sshll.u32 s1, $0xF;
	s4 =	sshll.u32 s28, $0xE  }
0x5: {  	[smem:$0x7FF] =	sst s2;
	s19 =	sor.u32 s4, s3  }
0x6: {  	_ =	strace $0x80000047;
	s3 =	sadd.s32 s18, s19;
	s14 =	sor.u32 $0x1000, s19  }
0x7: {  	[tilespmem:s2], [sflag:$0x1] =	stream.linear.gather [hbm4b:s3+s2], $0x8000, $0x38;
	[tilespmem:$0x10000] =	vst v63  }
0x8: {  	s5 =	simm.s32 $0x8000;
	s6 =	simm.s32 $0x1;
	s4 =	sadd.s32 s18, s14  }
0x9: {  	[tilespmem:s5], [sflag:$0x2] =	stream.linear.gather [hbm4b:s4+s2], $0x8000, $0x38;
	[tilespmem:$0x10000] =	vst v63  }
0xa: {  	_ =	swait.ge [sflag:s6], $0x8000  }
0xb: {  	[sflag:s6] =	ssyncset.done $0x0  }
0xc: {  	s7 =	sadd.s32 s23, s19;
	[sflag:s6] =	ssyncadd.s32 $0xFFFF8000  }
0xd: {  	[hbm4b:s7+s2] =	stream.linear.scatter [tilespmem:s2], [sflag:$0x3], $0x8000, $0x38;
	[tilespmem:$0x10000] =	vst v63  }
0xe: {  	s8 =	sadd.s32 $0x80000, s7  }
0xf: {  	[hbm4b:s8+s2] =	stream.linear.scatter [tilespmem:s2], [sflag:$0x3], $0x8000, $0x38;
	[tilespmem:$0x10000] =	vst v63  }
0x10: {  	s9 =	sadd.s32 $0x100000, s7  }
0x11: {  	[hbm4b:s9+s2] =	stream.linear.scatter [tilespmem:s2], [sflag:$0x3], $0x8000, $0x38;
	[tilespmem:$0x10000] =	vst v63  }
0x12: {  	s10 =	simm.s32 $0x3;
	s11 =	sadd.s32 $0x180000, s7  }
0x13: {  	[hbm4b:s11+s2] =	stream.linear.scatter [tilespmem:s2], [sflag:$0x3], $0x8000, $0x38;
	[tilespmem:$0x10000] =	vst v63  }
0x14: {  	_ =	swait.ge [sflag:s10], $0x8000  }
0x15: {  	[sflag:s10] =	ssyncset.done $0x0  }
0x16: {  	[sflag:s10] =	ssyncadd.s32 $0xFFFF8000  }
0x17: {  	_ =	swait.ge [sflag:s10], $0x8000  }
0x18: {  	[sflag:s10] =	ssyncset.done $0x0  }
0x19: {  	[sflag:s10] =	ssyncadd.s32 $0xFFFF8000  }
0x1a: {  	_ =	swait.ge [sflag:s10], $0x8000  }
0x1b: {  	[sflag:s10] =	ssyncset.done $0x0  }
0x1c: {  	[sflag:s10] =	ssyncadd.s32 $0xFFFF8000  }
0x1d: {  	_ =	swait.ge [sflag:s10], $0x8000  }
0x1e: {  	s20 =	sor.u32 $0x2000, s19;
	[sflag:s10] =	ssyncset.done $0x0  }
0x1f: {  	s13 =	simm.s32 $0x2;
	s12 =	sadd.s32 s18, s20;
	[sflag:s10] =	ssyncadd.s32 $0xFFFF8000  }
0x20: {  	[tilespmem:s2], [sflag:$0x1] =	stream.linear.gather [hbm4b:s12+s2], $0x8000, $0x38;
	[tilespmem:$0x10000] =	vst v63  }
0x21: {  	_ =	swait.ge [sflag:s13], $0x8000  }
0x22: {  	[sflag:s13] =	ssyncset.done $0x0  }
0x23: {  	s14 =	sadd.s32 s23, s14;
	[sflag:s13] =	ssyncadd.s32 $0xFFFF8000  }
0x24: {  	[hbm4b:s14+s2] =	stream.linear.scatter [tilespmem:s5], [sflag:$0x3], $0x8000, $0x38;
	[tilespmem:$0x10000] =	vst v63  }
0x25: {  	s15 =	sadd.s32 $0x81000, s7  }
0x26: {  	[hbm4b:s15+s2] =	stream.linear.scatter [tilespmem:s5], [sflag:$0x3], $0x8000, $0x38;
	[tilespmem:$0x10000] =	vst v63  }
0x27: {  	s16 =	sadd.s32 $0x101000, s7  }
0x28: {  	[hbm4b:s16+s2] =	stream.linear.scatter [tilespmem:s5], [sflag:$0x3], $0x8000, $0x38;
	[tilespmem:$0x10000] =	vst v63  }
0x29: {  	s17 =	sadd.s32 $0x181000, s7  }
0x2a: {  	[hbm4b:s17+s2] =	stream.linear.scatter [tilespmem:s5], [sflag:$0x3], $0x8000, $0x38;
	[tilespmem:$0x10000] =	vst v63  }
0x2b: {  	_ =	swait.ge [sflag:s10], $0x8000  }
0x2c: {  	[sflag:s10] =	ssyncset.done $0x0  }
0x2d: {  	[sflag:s10] =	ssyncadd.s32 $0xFFFF8000  }
0x2e: {  	_ =	swait.ge [sflag:s10], $0x8000  }
0x2f: {  	[sflag:s10] =	ssyncset.done $0x0  }
0x30: {  	[sflag:s10] =	ssyncadd.s32 $0xFFFF8000  }
0x31: {  	_ =	swait.ge [sflag:s10], $0x8000  }
0x32: {  	[sflag:s10] =	ssyncset.done $0x0  }
0x33: {  	[sflag:s10] =	ssyncadd.s32 $0xFFFF8000  }
0x34: {  	_ =	swait.ge [sflag:s10], $0x8000  }
0x35: {  	s24 =	sor.u32 $0x3000, s19;
	[sflag:s10] =	ssyncset.done $0x0  }
0x36: {  	s18 =	sadd.s32 s18, s24;
	[sflag:s10] =	ssyncadd.s32 $0xFFFF8000  }
0x37: {  	[tilespmem:s5], [sflag:$0x2] =	stream.linear.gather [hbm4b:s18+s2], $0x8000, $0x38;
	[tilespmem:$0x10000] =	vst v63  }
0x38: {  	_ =	swait.ge [sflag:s6], $0x8000  }
0x39: {  	[sflag:s6] =	ssyncset.done $0x0  }
0x3a: {  	s19 =	sadd.s32 s23, s20;
	[sflag:s6] =	ssyncadd.s32 $0xFFFF8000  }
0x3b: {  	[hbm4b:s19+s2] =	stream.linear.scatter [tilespmem:s2], [sflag:$0x3], $0x8000, $0x38;
	[tilespmem:$0x10000] =	vst v63  }
0x3c: {  	s20 =	sadd.s32 $0x82000, s7  }
0x3d: {  	[hbm4b:s20+s2] =	stream.linear.scatter [tilespmem:s2], [sflag:$0x3], $0x8000, $0x38;
	[tilespmem:$0x10000] =	vst v63  }
0x3e: {  	s21 =	sadd.s32 $0x102000, s7  }
0x3f: {  	[hbm4b:s21+s2] =	stream.linear.scatter [tilespmem:s2], [sflag:$0x3], $0x8000, $0x38;
	[tilespmem:$0x10000] =	vst v63  }
0x40: {  	s22 =	sadd.s32 $0x182000, s7  }
0x41: {  	[hbm4b:s22+s2] =	stream.linear.scatter [tilespmem:s2], [sflag:$0x3], $0x8000, $0x38;
	[tilespmem:$0x10000] =	vst v63  }
0x42: {  	_ =	swait.ge [sflag:s13], $0x8000  }
0x43: {  	[sflag:s13] =	ssyncset.done $0x0  }
0x44: {  	s23 =	sadd.s32 s23, s24;
	[sflag:s13] =	ssyncadd.s32 $0xFFFF8000  }
0x45: {  	[hbm4b:s23+s2] =	stream.linear.scatter [tilespmem:s5], [sflag:$0x3], $0x8000, $0x38;
	[tilespmem:$0x10000] =	vst v63  }
0x46: {  	s24 =	sadd.s32 $0x83000, s7  }
0x47: {  	[hbm4b:s24+s2] =	stream.linear.scatter [tilespmem:s5], [sflag:$0x3], $0x8000, $0x38;
	[tilespmem:$0x10000] =	vst v63  }
0x48: {  	s25 =	sadd.s32 $0x103000, s7  }
0x49: {  	[hbm4b:s25+s2] =	stream.linear.scatter [tilespmem:s5], [sflag:$0x3], $0x8000, $0x38;
	[tilespmem:$0x10000] =	vst v63  }
0x4a: {  	s26 =	sadd.s32 $0x183000, s7  }
0x4b: {  	[hbm4b:s26+s2] =	stream.linear.scatter [tilespmem:s5], [sflag:$0x3], $0x8000, $0x38;
	[tilespmem:$0x10000] =	vst v63  }
0x4c: {  	_ =	swait.ge [sflag:s10], $0x8000  }
0x4d: {  	[sflag:s10] =	ssyncset.done $0x0  }
0x4e: {  	[sflag:s10] =	ssyncadd.s32 $0xFFFF8000  }
0x4f: {  	_ =	swait.ge [sflag:s10], $0x8000  }
0x50: {  	[sflag:s10] =	ssyncset.done $0x0  }
0x51: {  	[sflag:s10] =	ssyncadd.s32 $0xFFFF8000  }
0x52: {  	_ =	swait.ge [sflag:s10], $0x8000  }
0x53: {  	[sflag:s10] =	ssyncset.done $0x0  }
0x54: {  	[sflag:s10] =	ssyncadd.s32 $0xFFFF8000  }
0x55: {  	_ =	swait.ge [sflag:s10], $0x8000  }
0x56: {  	[sflag:s10] =	ssyncset.done $0x0  }
0x57: {  	[sflag:s10] =	ssyncadd.s32 $0xFFFF8000  }
0x58: {  	_ =	swait.ge [sflag:s10], $0x8000  }
0x59: {  	s28 =	ssub.s32 $0x2, s28;
	[sflag:s10] =	ssyncset.done $0x0  }
0x5a: {  	s29 =	sshrl.u32 s28, $0x1;
	[sflag:s10] =	ssyncadd.s32 $0xFFFF8000  }
0x5b: {  	s28 =	ssub.s32 s28, s29;
	_ =	swait.ge [sflag:s10], $0x8000  }
0x5c: {  	s28 =	smax.u32 s28, $0x1;
	[sflag:s10] =	ssyncset.done $0x0  }
0x5d: {  	p0 =	sne.s32 s28, $0x1;
	[sflag:s10] =	ssyncadd.s32 $0xFFFF8000  }
.Ltmp0:
0x5e: {  	_ =	swait.ge [sflag:s10], $0x8000;
	(pc) =	sbr.rel @!p0 .LBB2_2-.Ltmp0, $4  }
0x5f: {  	[sflag:s10] =	ssyncset.done $0x0  }
0x60: {  	[sflag:s10] =	ssyncadd.s32 $0xFFFF8000  }
0x61: {  	_ =	swait.ge [sflag:s10], $0x8000  }
0x62: {  	s28 =	sadd.s32 $0xFFFFFFFF, s28;
	[sflag:s10] =	ssyncset.done $0x0  }
.LBB2_1:
0x63: {  	p0 =	sne.s32 s28, $0x1;
	s28 =	sadd.s32 $0xFFFFFFFF, s28;
	[sflag:s10] =	ssyncadd.s32 $0xFFFF8000  }
0x64: {  	[tilespmem:s2], [sflag:$0x1] =	stream.linear.gather [hbm4b:s3+s2], $0x8000, $0x38;
	[tilespmem:$0x10000] =	vst v63  }
0x65: {  	_ = 	snop  }
0x66: {  	[tilespmem:s5], [sflag:$0x2] =	stream.linear.gather [hbm4b:s4+s2], $0x8000, $0x38;
	[tilespmem:$0x10000] =	vst v63  }
0x67: {  	_ =	swait.ge [sflag:s6], $0x8000  }
0x68: {  	[sflag:s6] =	ssyncset.done $0x0  }
0x69: {  	[sflag:s6] =	ssyncadd.s32 $0xFFFF8000  }
0x6a: {  	[hbm4b:s7+s2] =	stream.linear.scatter [tilespmem:s2], [sflag:$0x3], $0x8000, $0x38;
	[tilespmem:$0x10000] =	vst v63  }
0x6b: {  	_ = 	snop  }
0x6c: {  	[hbm4b:s8+s2] =	stream.linear.scatter [tilespmem:s2], [sflag:$0x3], $0x8000, $0x38;
	[tilespmem:$0x10000] =	vst v63  }
0x6d: {  	_ = 	snop  }
0x6e: {  	[hbm4b:s9+s2] =	stream.linear.scatter [tilespmem:s2], [sflag:$0x3], $0x8000, $0x38;
	[tilespmem:$0x10000] =	vst v63  }
0x6f: {  	_ = 	snop  }
0x70: {  	[hbm4b:s11+s2] =	stream.linear.scatter [tilespmem:s2], [sflag:$0x3], $0x8000, $0x38;
	[tilespmem:$0x10000] =	vst v63  }
0x71: {  	_ =	swait.ge [sflag:s10], $0x8000  }
0x72: {  	[sflag:s10] =	ssyncset.done $0x0  }
0x73: {  	[sflag:s10] =	ssyncadd.s32 $0xFFFF8000  }
0x74: {  	_ =	swait.ge [sflag:s10], $0x8000  }
0x75: {  	[sflag:s10] =	ssyncset.done $0x0  }
0x76: {  	[sflag:s10] =	ssyncadd.s32 $0xFFFF8000  }
0x77: {  	_ =	swait.ge [sflag:s10], $0x8000  }
0x78: {  	[sflag:s10] =	ssyncset.done $0x0  }
0x79: {  	[sflag:s10] =	ssyncadd.s32 $0xFFFF8000  }
0x7a: {  	_ =	swait.ge [sflag:s10], $0x8000  }
0x7b: {  	[sflag:s10] =	ssyncset.done $0x0  }
0x7c: {  	[sflag:s10] =	ssyncadd.s32 $0xFFFF8000  }
0x7d: {  	[tilespmem:s2], [sflag:$0x1] =	stream.linear.gather [hbm4b:s12+s2], $0x8000, $0x38;
	[tilespmem:$0x10000] =	vst v63  }
0x7e: {  	_ =	swait.ge [sflag:s13], $0x8000  }
0x7f: {  	[sflag:s13] =	ssyncset.done $0x0  }
0x80: {  	[sflag:s13] =	ssyncadd.s32 $0xFFFF8000  }
0x81: {  	[hbm4b:s14+s2] =	stream.linear.scatter [tilespmem:s5], [sflag:$0x3], $0x8000, $0x38;
	[tilespmem:$0x10000] =	vst v63  }
0x82: {  	_ = 	snop  }
0x83: {  	[hbm4b:s15+s2] =	stream.linear.scatter [tilespmem:s5], [sflag:$0x3], $0x8000, $0x38;
	[tilespmem:$0x10000] =	vst v63  }
0x84: {  	_ = 	snop  }
0x85: {  	[hbm4b:s16+s2] =	stream.linear.scatter [tilespmem:s5], [sflag:$0x3], $0x8000, $0x38;
	[tilespmem:$0x10000] =	vst v63  }
0x86: {  	_ = 	snop  }
0x87: {  	[hbm4b:s17+s2] =	stream.linear.scatter [tilespmem:s5], [sflag:$0x3], $0x8000, $0x38;
	[tilespmem:$0x10000] =	vst v63  }
0x88: {  	_ =	swait.ge [sflag:s10], $0x8000  }
0x89: {  	[sflag:s10] =	ssyncset.done $0x0  }
0x8a: {  	[sflag:s10] =	ssyncadd.s32 $0xFFFF8000  }
0x8b: {  	_ =	swait.ge [sflag:s10], $0x8000  }
0x8c: {  	[sflag:s10] =	ssyncset.done $0x0  }
0x8d: {  	[sflag:s10] =	ssyncadd.s32 $0xFFFF8000  }
0x8e: {  	_ =	swait.ge [sflag:s10], $0x8000  }
0x8f: {  	[sflag:s10] =	ssyncset.done $0x0  }
0x90: {  	[sflag:s10] =	ssyncadd.s32 $0xFFFF8000  }
0x91: {  	_ =	swait.ge [sflag:s10], $0x8000  }
0x92: {  	[sflag:s10] =	ssyncset.done $0x0  }
0x93: {  	[sflag:s10] =	ssyncadd.s32 $0xFFFF8000  }
0x94: {  	[tilespmem:s5], [sflag:$0x2] =	stream.linear.gather [hbm4b:s18+s2], $0x8000, $0x38;
	[tilespmem:$0x10000] =	vst v63  }
0x95: {  	_ =	swait.ge [sflag:s6], $0x8000  }
0x96: {  	[sflag:s6] =	ssyncset.done $0x0  }
0x97: {  	[sflag:s6] =	ssyncadd.s32 $0xFFFF8000  }
0x98: {  	[hbm4b:s19+s2] =	stream.linear.scatter [tilespmem:s2], [sflag:$0x3], $0x8000, $0x38;
	[tilespmem:$0x10000] =	vst v63  }
0x99: {  	_ = 	snop  }
0x9a: {  	[hbm4b:s20+s2] =	stream.linear.scatter [tilespmem:s2], [sflag:$0x3], $0x8000, $0x38;
	[tilespmem:$0x10000] =	vst v63  }
0x9b: {  	_ = 	snop  }
0x9c: {  	[hbm4b:s21+s2] =	stream.linear.scatter [tilespmem:s2], [sflag:$0x3], $0x8000, $0x38;
	[tilespmem:$0x10000] =	vst v63  }
0x9d: {  	_ = 	snop  }
0x9e: {  	[hbm4b:s22+s2] =	stream.linear.scatter [tilespmem:s2], [sflag:$0x3], $0x8000, $0x38;
	[tilespmem:$0x10000] =	vst v63  }
0x9f: {  	_ =	swait.ge [sflag:s13], $0x8000  }
0xa0: {  	[sflag:s13] =	ssyncset.done $0x0  }
0xa1: {  	[sflag:s13] =	ssyncadd.s32 $0xFFFF8000  }
0xa2: {  	[hbm4b:s23+s2] =	stream.linear.scatter [tilespmem:s5], [sflag:$0x3], $0x8000, $0x38;
	[tilespmem:$0x10000] =	vst v63  }
0xa3: {  	_ = 	snop  }
0xa4: {  	[hbm4b:s24+s2] =	stream.linear.scatter [tilespmem:s5], [sflag:$0x3], $0x8000, $0x38;
	[tilespmem:$0x10000] =	vst v63  }
0xa5: {  	_ = 	snop  }
0xa6: {  	[hbm4b:s25+s2] =	stream.linear.scatter [tilespmem:s5], [sflag:$0x3], $0x8000, $0x38;
	[tilespmem:$0x10000] =	vst v63  }
0xa7: {  	_ = 	snop  }
0xa8: {  	[hbm4b:s26+s2] =	stream.linear.scatter [tilespmem:s5], [sflag:$0x3], $0x8000, $0x38;
	[tilespmem:$0x10000] =	vst v63  }
0xa9: {  	_ =	swait.ge [sflag:s10], $0x8000  }
0xaa: {  	[sflag:s10] =	ssyncset.done $0x0  }
0xab: {  	[sflag:s10] =	ssyncadd.s32 $0xFFFF8000  }
0xac: {  	_ =	swait.ge [sflag:s10], $0x8000  }
0xad: {  	[sflag:s10] =	ssyncset.done $0x0  }
0xae: {  	[sflag:s10] =	ssyncadd.s32 $0xFFFF8000  }
0xaf: {  	_ =	swait.ge [sflag:s10], $0x8000  }
0xb0: {  	[sflag:s10] =	ssyncset.done $0x0  }
0xb1: {  	[sflag:s10] =	ssyncadd.s32 $0xFFFF8000  }
0xb2: {  	_ =	swait.ge [sflag:s10], $0x8000  }
0xb3: {  	[sflag:s10] =	ssyncset.done $0x0  }
0xb4: {  	[sflag:s10] =	ssyncadd.s32 $0xFFFF8000  }
0xb5: {  	_ =	swait.ge [sflag:s10], $0x8000  }
0xb6: {  	[sflag:s10] =	ssyncset.done $0x0  }
0xb7: {  	[sflag:s10] =	ssyncadd.s32 $0xFFFF8000  }
0xb8: {  	_ =	swait.ge [sflag:s10], $0x8000  }
0xb9: {  	[sflag:s10] =	ssyncset.done $0x0  }
0xba: {  	[sflag:s10] =	ssyncadd.s32 $0xFFFF8000  }
.Ltmp1:
0xbb: {  	_ =	swait.ge [sflag:s10], $0x8000;
	(pc) =	sbr.rel @p0 .LBB2_1-.Ltmp1, $4  }
0xbc: {  	[sflag:s10] =	ssyncset.done $0x0  }
0xbd: {  	[sflag:s10] =	ssyncadd.s32 $0xFFFF8000  }
0xbe: {  	_ =	swait.ge [sflag:s10], $0x8000  }
0xbf: {  	[sflag:s10] =	ssyncset.done $0x0  }
.LBB2_2:
0xc0: {  	[sflag:s10] =	ssyncadd.s32 $0xFFFF8000  }
0xc1: {  	_ =	sfence.sel $0x180000  }
0xc2: {  	[bflag:$0x0] =	sbarrier.arrive $0xFFFF  }
0xc3: {  	p0 =	sne.s32 s1, $0x0;
	_ =	strace $0x90000047  }
0xc4: {  	s0 =	sadd.s32 @!p0 $0x100000, s0;
	[bflag:$0x2] =	sbarrier.arrive $0xFFFF  }
0xc5: {  	[sflag:s0] =	ssyncadd.tile.s32 @!p0 $0x1;
	_ =	shalt  }
.Lfunc_end2:
_tile_overlayer_lowered:
.L_overlay_start_2:
0xc6: {  	(tag) =	ssettag $0x2  }
0xc7: {  	s0 =	rddreg [dreg:$0x0];
	s2 =	stileid.u32  }
0xc8: {  	s1 =	rddreg [dreg:$0x1];
	p0 =	sne.s32 s2, $0x0  }
0xc9: {  	s3 =	rddreg [dreg:$0x2];
	[bflag:$0x3] =	sbarrier.arrive $0xFFFF;
	s2 =	simm.s32 @!p0 $0x1C04  }
0xca: {  	[timem:s3], [sflag:s2] =	dma.local @!p0 [hbm:s0], s1  }
0xcb: {  	s0 =	simm.s32 @!p0 $0x4  }
0xcc: {  	_ =	swait.ge @!p0 [sflag:s0], s1  }
0xcd: {  	s1 =	ssub.s32 @!p0 $0x0, s1;
	[sflag:s0] =	ssyncset.done @!p0 $0x0  }
0xce: {  	[sflag:s0] =	ssyncadd.s32 @!p0 s1  }
0xcf: {  	[bflag:$0x3] =	sbarrier.arrive $0xFFFF  }
0xd0: {  	_ =	shalt  }

</sc_bundles>
